<compile_context>
chip_gen: v7x
topology: tpu7x:2x2x1
jax: 0.10.2.dev20260603
libtpu: 0.0.44.dev20260713+nightly
codegen_flags: <defaults>
</compile_context>

<pallas_src>
import functools

import jax
import jax.numpy as jnp
from jax import lax
from jax.experimental import pallas as pl
from jax.experimental.pallas import tpu as pltpu
from jax.experimental.pallas import tpu_sc as plsc

NC = 2
NS = 16
BLK = 128
NBUF = 3


def _sc_aggregate(nbr_feat, idx2d, self_feat, zrows, consts, n_nodes,
                  deg_stripe):
    E, D = nbr_feat.shape
    NW = NC * NS
    nblk_total = E // BLK
    nblk_base = nblk_total // NW
    n_extra = nblk_total - nblk_base * NW
    wid_extra0 = NW - n_extra
    rows_per_tile = n_nodes // NS
    deg_pad = NS * deg_stripe
    ngrp = nblk_base // NBUF
    assert ngrp * NBUF == nblk_base

    mesh = plsc.VectorSubcoreMesh(core_axis_name="c", subcore_axis_name="s")

    @functools.partial(
        pl.kernel,
        mesh=mesh,
        compiler_params=pltpu.CompilerParams(use_tc_tiling_on_sc=False),
        out_type=[
            jax.ShapeDtypeStruct((NC, n_nodes, D), jnp.float32),
            jax.ShapeDtypeStruct((NC, deg_pad), jnp.float32),
        ],
        scratch_types=[
            pltpu.VMEM((NBUF, 1, BLK), jnp.int32),
            pltpu.VMEM((NBUF, BLK, D), jnp.float32),
            pltpu.VMEM((BLK,), jnp.float32),
            pltpu.VMEM_SHARED((n_nodes, D), jnp.float32),
            pltpu.VMEM_SHARED((deg_pad,), jnp.float32),
            pltpu.SemaphoreType.DMA((NBUF,)),
            pltpu.SemaphoreType.DMA((NBUF,)),
            pltpu.SemaphoreType.DMA((NBUF,)),
            pltpu.SemaphoreType.DMA,
        ],
    )
    def k(nbr_hbm, idx_hbm, self_hbm, zrows_hbm, consts_hbm, out_sum, out_deg,
          idx_r, buf, ones_v, acc_sh, deg_sh, sem_g, sem_i, sem_s, sem_d):
        c = lax.axis_index("c")
        s = lax.axis_index("s")
        wid = s * NC + c
        has_extra = wid >= wid_extra0
        blk0 = wid * nblk_base
        extra_blk = nblk_base * NW + (wid - wid_extra0)
        ebase = blk0 * BLK

        for b in range(NBUF):
            pltpu.async_copy(nbr_hbm.at[pl.ds(ebase + b * BLK, BLK)],
                             buf.at[b], sem_g.at[b])
            pltpu.async_copy(idx_hbm.at[pl.ds(blk0 + b, 1)],
                             idx_r.at[b], sem_i.at[b])

        pltpu.sync_copy(consts_hbm.at[pl.ds(deg_stripe, BLK)], ones_v)

        @pl.when(c == 0)
        def _():
            pltpu.sync_copy(
                self_hbm.at[pl.ds(s * rows_per_tile, rows_per_tile)],
                acc_sh.at[pl.ds(s * rows_per_tile, rows_per_tile)])

        @pl.when(c == 1)
        def _():
            pltpu.sync_copy(
                zrows_hbm,
                acc_sh.at[pl.ds(s * rows_per_tile, rows_per_tile)])
        pltpu.sync_copy(consts_hbm.at[pl.ds(0, deg_stripe)],
                        deg_sh.at[pl.ds(s * deg_stripe, deg_stripe)])

        plsc.subcore_barrier()

        def grp_body(g, carry):
            base_blk = g * NBUF
            feat_descs = []
            deg_descs = []
            for b in range(NBUF):
                pltpu.make_async_copy(nbr_hbm.at[pl.ds(ebase, BLK)],
                                      buf.at[b], sem_g.at[b]).wait()
                pltpu.make_async_copy(idx_hbm.at[pl.ds(blk0, 1)],
                                      idx_r.at[b], sem_i.at[b]).wait()
                feat_descs.append(pltpu.async_copy(
                    buf.at[b], acc_sh.at[idx_r.at[b, 0]], sem_s.at[b],
                    add=True))
                deg_descs.append(pltpu.async_copy(
                    ones_v, deg_sh.at[idx_r.at[b, 0]], sem_d, add=True))
            for b in range(NBUF):
                feat_descs[b].wait()
                deg_descs[b].wait()
                blk_next = base_blk + NBUF + b

                @pl.when(blk_next < nblk_base)
                def _():
                    pltpu.async_copy(
                        nbr_hbm.at[pl.ds(ebase + blk_next * BLK, BLK)],
                        buf.at[b], sem_g.at[b])
                    pltpu.async_copy(idx_hbm.at[pl.ds(blk0 + blk_next, 1)],
                                     idx_r.at[b], sem_i.at[b])
            return carry

        lax.fori_loop(0, ngrp, grp_body, None)

        @pl.when(has_extra)
        def _():
            pltpu.sync_copy(idx_hbm.at[pl.ds(extra_blk, 1)], idx_r.at[0])
            pltpu.sync_copy(nbr_hbm.at[pl.ds(extra_blk * BLK, BLK)],
                            buf.at[0])
            pltpu.sync_copy(buf.at[0], acc_sh.at[idx_r.at[0, 0]], add=True)
            pltpu.sync_copy(ones_v, deg_sh.at[idx_r.at[0, 0]], add=True)

        plsc.subcore_barrier()

        pltpu.sync_copy(acc_sh.at[pl.ds(s * rows_per_tile, rows_per_tile)],
                        out_sum.at[c, pl.ds(s * rows_per_tile, rows_per_tile)])
        pltpu.sync_copy(deg_sh.at[pl.ds(s * deg_stripe, deg_stripe)],
                        out_deg.at[c, pl.ds(s * deg_stripe, deg_stripe)])

    return k(nbr_feat, idx2d, self_feat, zrows, consts)


def _tc_finish(n_nodes, psum, pdeg2, W):
    N = n_nodes
    D = psum.shape[-1]
    nfull, tail_rows = divmod(N, 128)

    def body(p_ref, d_ref, w_ref, o_ref):
        x = p_ref[0] + p_ref[1]
        r2 = 1.0 / (d_ref[0] + d_ref[1] + 1.0)
        r2t = r2.T
        parts = []
        for a in range(nfull):
            col = lax.slice(r2t, (0, a), (128, a + 1))
            parts.append(x[a * 128:(a + 1) * 128, :] * col)
        if tail_rows:
            col = lax.slice(r2t, (0, nfull), (tail_rows, nfull + 1))
            parts.append(x[nfull * 128:N, :] * col)
        y = jnp.concatenate(parts, axis=0)
        o_ref[...] = lax.dot_general(
            y, w_ref[...],
            dimension_numbers=(((1,), (1,)), ((), ())),
            preferred_element_type=jnp.float32)

    return pl.pallas_call(
        body,
        out_shape=jax.ShapeDtypeStruct((N, D), jnp.float32),
    )(psum, pdeg2, W)


def kernel(self_feat, nbr_feat, relation_src_indices, W):
    N, D = self_feat.shape
    E = nbr_feat.shape[0]
    assert E % BLK == 0 and N % NS == 0
    deg_stripe = -(-(N // NS) // 128) * 128

    idx2d = relation_src_indices.astype(jnp.int32).reshape(E // BLK, BLK)
    zrows = jnp.zeros((N // NS, D), jnp.float32)
    consts = jnp.concatenate(
        [jnp.zeros((deg_stripe,), jnp.float32),
         jnp.ones((BLK,), jnp.float32)])
    psum, pdeg = _sc_aggregate(nbr_feat, idx2d, self_feat, zrows, consts, N,
                               deg_stripe)
    pdeg2 = pdeg.reshape(NC, -1, 128)
    return _tc_finish(N, psum, pdeg2, W)

# --- scband reference (transcript-rebuilt; emitter-appended) ---
"""Pipeline reference for scband-gcnaggregator-sparse-54863912239184 (READ-ONLY COPY).

The authoritative reference and input builder live on the scoring server;
editing this copy changes nothing except your own understanding.
"""

import jax, jax.numpy as jnp
import numpy as np

N_NODES = 10000
N_EDGES = 320000
D_IN = 128
D_OUT = 128


def setup_inputs(seed: int = 0) -> dict:
    key = jax.random.key(seed)
    k1, k2, k3, k4 = jax.random.split(key, 4)
    self_feat = jax.random.normal(k1, (N_NODES, D_IN), dtype=jnp.float32)
    nbr_feat = jax.random.normal(k2, (N_EDGES, D_IN), dtype=jnp.float32)
    relation_src_indices = jax.random.randint(k3, (N_EDGES,), 0, N_NODES, dtype=jnp.int64 if jax.config.jax_enable_x64 else jnp.int32)
    # fc_layer weight, Glorot uniform with relu gain (torch nn.Linear stores W as [out, in])
    gain = float(np.sqrt(2.0))
    limit = gain * np.sqrt(6.0 / (D_IN + D_OUT))
    W = jax.random.uniform(k4, (D_OUT, D_IN), minval=-limit, maxval=limit, dtype=jnp.float32)
    return {"self_feat": self_feat, "nbr_feat": nbr_feat, "relation_src_indices": relation_src_indices, "W": W}


def reference(self_feat, nbr_feat, relation_src_indices, W):
    num_nodes = self_feat.shape[0]
    nbr_sum = jax.ops.segment_sum(nbr_feat, relation_src_indices, num_segments=num_nodes)
    degs = jax.ops.segment_sum(jnp.ones_like(nbr_feat), relation_src_indices, num_segments=num_nodes)
    output = (self_feat + nbr_sum) / (degs + 1.0)
    output = output @ W.T  # Linear with bias=False
    return output

if __name__ == "__main__":
    import jax
    _d = setup_inputs()
    print(jax.jit(kernel)(*tuple(_d.values())))

</pallas_src>

<mosaic_0001>
#map = affine_map<(d0, d1) -> (0, 0)>
#map1 = affine_map<(d0, d1) -> (0)>
#map2 = affine_map<(d0, d1) -> (0, 0, 0)>
module attributes {stable_mosaic.version = 14 : i64} {
  func.func @k(%arg0: i32, %arg1: i32, %arg2: memref<320000x128xf32, #tpu.memory_space<hbm>>, %arg3: memref<2500x128xi32, #tpu.memory_space<hbm>>, %arg4: memref<10000x128xf32, #tpu.memory_space<hbm>>, %arg5: memref<625x128xf32, #tpu.memory_space<hbm>>, %arg6: memref<768xf32, #tpu.memory_space<hbm>>, %arg7: memref<2x10000x128xf32, #tpu.memory_space<hbm>>, %arg8: memref<2x10240xf32, #tpu.memory_space<hbm>>, %arg9: memref<3x1x128xi32, #tpu.memory_space<vmem>>, %arg10: memref<3x128x128xf32, #tpu.memory_space<vmem>>, %arg11: memref<128xf32, #tpu.memory_space<vmem>>, %arg12: memref<10000x128xf32, #tpu.memory_space<vmem_shared>>, %arg13: memref<10240xf32, #tpu.memory_space<vmem_shared>>, %arg14: memref<3x!tpu.dma_semaphore, #tpu.memory_space<semaphore_mem>>, %arg15: memref<3x!tpu.dma_semaphore, #tpu.memory_space<semaphore_mem>>, %arg16: memref<3x!tpu.dma_semaphore, #tpu.memory_space<semaphore_mem>>, %arg17: memref<!tpu.dma_semaphore, #tpu.memory_space<semaphore_mem>>) attributes {dimension_semantics = [#tpu.dimension_semantics<core_parallel>, #tpu.dimension_semantics<subcore_parallel>], iteration_bounds = array<i64: 2, 16>, scalar_prefetch = 0 : i64, scratch_operands = 9 : i64, tpu.core_type = #tpu.core_type<sc_vector_subcore>, window_params = [{transform_indices = #map}, {transform_indices = #map}, {transform_indices = #map}, {transform_indices = #map}, {transform_indices = #map1}, {transform_indices = #map2}, {transform_indices = #map}]} {
    %mul3A = arith.constant 2 : i32
    %mul3A_0 = arith.muli %arg1, %mul3A : i32
    %add3A = arith.addi %mul3A_0, %arg0 : i32
    %ge3A = arith.constant 28 : i32
    %ge3A_1 = arith.cmpi sge, %add3A, %ge3A : i32
    %mul3A_2 = arith.constant 78 : i32
    %mul3A_3 = arith.muli %add3A, %mul3A_2 : i32
    %sub3A = arith.constant 28 : i32
    %sub3A_4 = arith.subi %add3A, %sub3A : i32
    %add3A_5 = arith.constant 2496 : i32
    %add3A_6 = arith.addi %add3A_5, %sub3A_4 : i32
    %mul3A_7 = arith.constant 128 : i32
    %mul3A_8 = arith.muli %mul3A_3, %mul3A_7 : i32
    %add3A_9 = arith.constant 0 : i32
    %add3A_10 = arith.addi %mul3A_8, %add3A_9 : i32
    %dma_start3A = arith.constant 0 : i32
    %dma_start3A_11 = arith.constant 0 : i32
    %dma_start3A_12 = arith.constant 0 : i32
    %dma_start3A_13 = arith.constant 0 : i32
    %dma_start3A_14 = tpu.memref_slice %arg10[%dma_start3A, %dma_start3A_12, %dma_start3A_13] : memref<3x128x128xf32, #tpu.memory_space<vmem>> -> memref<1x128x128xf32, #tpu.memory_space<vmem>>
    %dma_start3A_15 = tpu.memref_squeeze %dma_start3A_14 : memref<1x128x128xf32, #tpu.memory_space<vmem>> -> memref<128x128xf32, #tpu.memory_space<vmem>>
    %dma_start3A_16 = arith.constant 0 : i32
    %dma_start3A_17 = tpu.memref_slice %arg2[%add3A_10, %dma_start3A_16] : memref<320000x128xf32, #tpu.memory_space<hbm>> -> memref<128x128xf32, #tpu.memory_space<hbm>>
    %dma_start3A_18 = tpu.memref_slice %arg14[%dma_start3A_11] : memref<3x!tpu.dma_semaphore, #tpu.memory_space<semaphore_mem>> -> memref<1x!tpu.dma_semaphore, #tpu.memory_space<semaphore_mem>>
    %dma_start3A_19 = tpu.memref_squeeze %dma_start3A_18 : memref<1x!tpu.dma_semaphore, #tpu.memory_space<semaphore_mem>> -> memref<!tpu.dma_semaphore, #tpu.memory_space<semaphore_mem>>
    %dma_start3A_20 = arith.constant 0 : i32
    %dma_start3A_21 = arith.constant 0 : i32
    %dma_start3A_22 = tpu.memref_slice %arg10[%dma_start3A, %dma_start3A_20, %dma_start3A_21] : memref<3x128x128xf32, #tpu.memory_space<vmem>> -> memref<1x128x128xf32, #tpu.memory_space<vmem>>
    %dma_start3A_23 = tpu.memref_squeeze %dma_start3A_22 : memref<1x128x128xf32, #tpu.memory_space<vmem>> -> memref<128x128xf32, #tpu.memory_space<vmem>>
    %dma_start3A_24 = arith.constant 0 : i32
    %dma_start3A_25 = tpu.memref_slice %arg2[%add3A_10, %dma_start3A_24] : memref<320000x128xf32, #tpu.memory_space<hbm>> -> memref<128x128xf32, #tpu.memory_space<hbm>>
    tpu.enqueue_dma source(%dma_start3A_25 : memref<128x128xf32, #tpu.memory_space<hbm>>) target(%dma_start3A_23 : memref<128x128xf32, #tpu.memory_space<vmem>>) target_semaphore(%dma_start3A_19 : memref<!tpu.dma_semaphore, #tpu.memory_space<semaphore_mem>>)
    %add3A_26 = arith.constant 0 : i32
    %add3A_27 = arith.addi %mul3A_3, %add3A_26 : i32
    %dma_start3A_28 = arith.constant 0 : i32
    %dma_start3A_29 = arith.constant 0 : i32
    %dma_start3A_30 = arith.constant 0 : i32
    %dma_start3A_31 = arith.constant 0 : i32
    %dma_start3A_32 = tpu.memref_slice %arg9[%dma_start3A_28, %dma_start3A_30, %dma_start3A_31] : memref<3x1x128xi32, #tpu.memory_space<vmem>> -> memref<1x1x128xi32, #tpu.memory_space<vmem>>
    %dma_start3A_33 = tpu.memref_squeeze %dma_start3A_32 : memref<1x1x128xi32, #tpu.memory_space<vmem>> -> memref<1x128xi32, #tpu.memory_space<vmem>>
    %dma_start3A_34 = arith.constant 0 : i32
    %dma_start3A_35 = tpu.memref_slice %arg3[%add3A_27, %dma_start3A_34] : memref<2500x128xi32, #tpu.memory_space<hbm>> -> memref<1x128xi32, #tpu.memory_space<hbm>>
    %dma_start3A_36 = tpu.memref_slice %arg15[%dma_start3A_29] : memref<3x!tpu.dma_semaphore, #tpu.memory_space<semaphore_mem>> -> memref<1x!tpu.dma_semaphore, #tpu.memory_space<semaphore_mem>>
    %dma_start3A_37 = tpu.memref_squeeze %dma_start3A_36 : memref<1x!tpu.dma_semaphore, #tpu.memory_space<semaphore_mem>> -> memref<!tpu.dma_semaphore, #tpu.memory_space<semaphore_mem>>
    %dma_start3A_38 = arith.constant 0 : i32
    %dma_start3A_39 = arith.constant 0 : i32
    %dma_start3A_40 = tpu.memref_slice %arg9[%dma_start3A_28, %dma_start3A_38, %dma_start3A_39] : memref<3x1x128xi32, #tpu.memory_space<vmem>> -> memref<1x1x128xi32, #tpu.memory_space<vmem>>
    %dma_start3A_41 = tpu.memref_squeeze %dma_start3A_40 : memref<1x1x128xi32, #tpu.memory_space<vmem>> -> memref<1x128xi32, #tpu.memory_space<vmem>>
    %dma_start3A_42 = arith.constant 0 : i32
    %dma_start3A_43 = tpu.memref_slice %arg3[%add3A_27, %dma_start3A_42] : memref<2500x128xi32, #tpu.memory_space<hbm>> -> memref<1x128xi32, #tpu.memory_space<hbm>>
    tpu.enqueue_dma source(%dma_start3A_43 : memref<1x128xi32, #tpu.memory_space<hbm>>) target(%dma_start3A_41 : memref<1x128xi32, #tpu.memory_space<vmem>>) target_semaphore(%dma_start3A_37 : memref<!tpu.dma_semaphore, #tpu.memory_space<semaphore_mem>>)
    %add3A_44 = arith.constant 128 : i32
    %add3A_45 = arith.addi %mul3A_8, %add3A_44 : i32
    %dma_start3A_46 = arith.constant 1 : i32
    %dma_start3A_47 = arith.constant 1 : i32
    %dma_start3A_48 = arith.constant 0 : i32
    %dma_start3A_49 = arith.constant 0 : i32
    %dma_start3A_50 = tpu.memref_slice %arg10[%dma_start3A_46, %dma_start3A_48, %dma_start3A_49] : memref<3x128x128xf32, #tpu.memory_space<vmem>> -> memref<1x128x128xf32, #tpu.memory_space<vmem>>
    %dma_start3A_51 = tpu.memref_squeeze %dma_start3A_50 : memref<1x128x128xf32, #tpu.memory_space<vmem>> -> memref<128x128xf32, #tpu.memory_space<vmem>>
    %dma_start3A_52 = arith.constant 0 : i32
    %dma_start3A_53 = tpu.memref_slice %arg2[%add3A_45, %dma_start3A_52] : memref<320000x128xf32, #tpu.memory_space<hbm>> -> memref<128x128xf32, #tpu.memory_space<hbm>>
    %dma_start3A_54 = tpu.memref_slice %arg14[%dma_start3A_47] : memref<3x!tpu.dma_semaphore, #tpu.memory_space<semaphore_mem>> -> memref<1x!tpu.dma_semaphore, #tpu.memory_space<semaphore_mem>>
    %dma_start3A_55 = tpu.memref_squeeze %dma_start3A_54 : memref<1x!tpu.dma_semaphore, #tpu.memory_space<semaphore_mem>> -> memref<!tpu.dma_semaphore, #tpu.memory_space<semaphore_mem>>
    %dma_start3A_56 = arith.constant 0 : i32
    %dma_start3A_57 = arith.constant 0 : i32
    %dma_start3A_58 = tpu.memref_slice %arg10[%dma_start3A_46, %dma_start3A_56, %dma_start3A_57] : memref<3x128x128xf32, #tpu.memory_space<vmem>> -> memref<1x128x128xf32, #tpu.memory_space<vmem>>
    %dma_start3A_59 = tpu.memref_squeeze %dma_start3A_58 : memref<1x128x128xf32, #tpu.memory_space<vmem>> -> memref<128x128xf32, #tpu.memory_space<vmem>>
    %dma_start3A_60 = arith.constant 0 : i32
    %dma_start3A_61 = tpu.memref_slice %arg2[%add3A_45, %dma_start3A_60] : memref<320000x128xf32, #tpu.memory_space<hbm>> -> memref<128x128xf32, #tpu.memory_space<hbm>>
    tpu.enqueue_dma source(%dma_start3A_61 : memref<128x128xf32, #tpu.memory_space<hbm>>) target(%dma_start3A_59 : memref<128x128xf32, #tpu.memory_space<vmem>>) target_semaphore(%dma_start3A_55 : memref<!tpu.dma_semaphore, #tpu.memory_space<semaphore_mem>>)
    %add3A_62 = arith.constant 1 : i32
    %add3A_63 = arith.addi %mul3A_3, %add3A_62 : i32
    %dma_start3A_64 = arith.constant 1 : i32
    %dma_start3A_65 = arith.constant 1 : i32
    %dma_start3A_66 = arith.constant 0 : i32
    %dma_start3A_67 = arith.constant 0 : i32
    %dma_start3A_68 = tpu.memref_slice %arg9[%dma_start3A_64, %dma_start3A_66, %dma_start3A_67] : memref<3x1x128xi32, #tpu.memory_space<vmem>> -> memref<1x1x128xi32, #tpu.memory_space<vmem>>
    %dma_start3A_69 = tpu.memref_squeeze %dma_start3A_68 : memref<1x1x128xi32, #tpu.memory_space<vmem>> -> memref<1x128xi32, #tpu.memory_space<vmem>>
    %dma_start3A_70 = arith.constant 0 : i32
    %dma_start3A_71 = tpu.memref_slice %arg3[%add3A_63, %dma_start3A_70] : memref<2500x128xi32, #tpu.memory_space<hbm>> -> memref<1x128xi32, #tpu.memory_space<hbm>>
    %dma_start3A_72 = tpu.memref_slice %arg15[%dma_start3A_65] : memref<3x!tpu.dma_semaphore, #tpu.memory_space<semaphore_mem>> -> memref<1x!tpu.dma_semaphore, #tpu.memory_space<semaphore_mem>>
    %dma_start3A_73 = tpu.memref_squeeze %dma_start3A_72 : memref<1x!tpu.dma_semaphore, #tpu.memory_space<semaphore_mem>> -> memref<!tpu.dma_semaphore, #tpu.memory_space<semaphore_mem>>
    %dma_start3A_74 = arith.constant 0 : i32
    %dma_start3A_75 = arith.constant 0 : i32
    %dma_start3A_76 = tpu.memref_slice %arg9[%dma_start3A_64, %dma_start3A_74, %dma_start3A_75] : memref<3x1x128xi32, #tpu.memory_space<vmem>> -> memref<1x1x128xi32, #tpu.memory_space<vmem>>
    %dma_start3A_77 = tpu.memref_squeeze %dma_start3A_76 : memref<1x1x128xi32, #tpu.memory_space<vmem>> -> memref<1x128xi32, #tpu.memory_space<vmem>>
    %dma_start3A_78 = arith.constant 0 : i32
    %dma_start3A_79 = tpu.memref_slice %arg3[%add3A_63, %dma_start3A_78] : memref<2500x128xi32, #tpu.memory_space<hbm>> -> memref<1x128xi32, #tpu.memory_space<hbm>>
    tpu.enqueue_dma source(%dma_start3A_79 : memref<1x128xi32, #tpu.memory_space<hbm>>) target(%dma_start3A_77 : memref<1x128xi32, #tpu.memory_space<vmem>>) target_semaphore(%dma_start3A_73 : memref<!tpu.dma_semaphore, #tpu.memory_space<semaphore_mem>>)
    %add3A_80 = arith.constant 256 : i32
    %add3A_81 = arith.addi %mul3A_8, %add3A_80 : i32
    %dma_start3A_82 = arith.constant 2 : i32
    %dma_start3A_83 = arith.constant 2 : i32
    %dma_start3A_84 = arith.constant 0 : i32
    %dma_start3A_85 = arith.constant 0 : i32
    %dma_start3A_86 = tpu.memref_slice %arg10[%dma_start3A_82, %dma_start3A_84, %dma_start3A_85] : memref<3x128x128xf32, #tpu.memory_space<vmem>> -> memref<1x128x128xf32, #tpu.memory_space<vmem>>
    %dma_start3A_87 = tpu.memref_squeeze %dma_start3A_86 : memref<1x128x128xf32, #tpu.memory_space<vmem>> -> memref<128x128xf32, #tpu.memory_space<vmem>>
    %dma_start3A_88 = arith.constant 0 : i32
    %dma_start3A_89 = tpu.memref_slice %arg2[%add3A_81, %dma_start3A_88] : memref<320000x128xf32, #tpu.memory_space<hbm>> -> memref<128x128xf32, #tpu.memory_space<hbm>>
    %dma_start3A_90 = tpu.memref_slice %arg14[%dma_start3A_83] : memref<3x!tpu.dma_semaphore, #tpu.memory_space<semaphore_mem>> -> memref<1x!tpu.dma_semaphore, #tpu.memory_space<semaphore_mem>>
    %dma_start3A_91 = tpu.memref_squeeze %dma_start3A_90 : memref<1x!tpu.dma_semaphore, #tpu.memory_space<semaphore_mem>> -> memref<!tpu.dma_semaphore, #tpu.memory_space<semaphore_mem>>
    %dma_start3A_92 = arith.constant 0 : i32
    %dma_start3A_93 = arith.constant 0 : i32
    %dma_start3A_94 = tpu.memref_slice %arg10[%dma_start3A_82, %dma_start3A_92, %dma_start3A_93] : memref<3x128x128xf32, #tpu.memory_space<vmem>> -> memref<1x128x128xf32, #tpu.memory_space<vmem>>
    %dma_start3A_95 = tpu.memref_squeeze %dma_start3A_94 : memref<1x128x128xf32, #tpu.memory_space<vmem>> -> memref<128x128xf32, #tpu.memory_space<vmem>>
    %dma_start3A_96 = arith.constant 0 : i32
    %dma_start3A_97 = tpu.memref_slice %arg2[%add3A_81, %dma_start3A_96] : memref<320000x128xf32, #tpu.memory_space<hbm>> -> memref<128x128xf32, #tpu.memory_space<hbm>>
    tpu.enqueue_dma source(%dma_start3A_97 : memref<128x128xf32, #tpu.memory_space<hbm>>) target(%dma_start3A_95 : memref<128x128xf32, #tpu.memory_space<vmem>>) target_semaphore(%dma_start3A_91 : memref<!tpu.dma_semaphore, #tpu.memory_space<semaphore_mem>>)
    %add3A_98 = arith.constant 2 : i32
    %add3A_99 = arith.addi %mul3A_3, %add3A_98 : i32
    %dma_start3A_100 = arith.constant 2 : i32
    %dma_start3A_101 = arith.constant 2 : i32
    %dma_start3A_102 = arith.constant 0 : i32
    %dma_start3A_103 = arith.constant 0 : i32
    %dma_start3A_104 = tpu.memref_slice %arg9[%dma_start3A_100, %dma_start3A_102, %dma_start3A_103] : memref<3x1x128xi32, #tpu.memory_space<vmem>> -> memref<1x1x128xi32, #tpu.memory_space<vmem>>
    %dma_start3A_105 = tpu.memref_squeeze %dma_start3A_104 : memref<1x1x128xi32, #tpu.memory_space<vmem>> -> memref<1x128xi32, #tpu.memory_space<vmem>>
    %dma_start3A_106 = arith.constant 0 : i32
    %dma_start3A_107 = tpu.memref_slice %arg3[%add3A_99, %dma_start3A_106] : memref<2500x128xi32, #tpu.memory_space<hbm>> -> memref<1x128xi32, #tpu.memory_space<hbm>>
    %dma_start3A_108 = tpu.memref_slice %arg15[%dma_start3A_101] : memref<3x!tpu.dma_semaphore, #tpu.memory_space<semaphore_mem>> -> memref<1x!tpu.dma_semaphore, #tpu.memory_space<semaphore_mem>>
    %dma_start3A_109 = tpu.memref_squeeze %dma_start3A_108 : memref<1x!tpu.dma_semaphore, #tpu.memory_space<semaphore_mem>> -> memref<!tpu.dma_semaphore, #tpu.memory_space<semaphore_mem>>
    %dma_start3A_110 = arith.constant 0 : i32
    %dma_start3A_111 = arith.constant 0 : i32
    %dma_start3A_112 = tpu.memref_slice %arg9[%dma_start3A_100, %dma_start3A_110, %dma_start3A_111] : memref<3x1x128xi32, #tpu.memory_space<vmem>> -> memref<1x1x128xi32, #tpu.memory_space<vmem>>
    %dma_start3A_113 = tpu.memref_squeeze %dma_start3A_112 : memref<1x1x128xi32, #tpu.memory_space<vmem>> -> memref<1x128xi32, #tpu.memory_space<vmem>>
    %dma_start3A_114 = arith.constant 0 : i32
    %dma_start3A_115 = tpu.memref_slice %arg3[%add3A_99, %dma_start3A_114] : memref<2500x128xi32, #tpu.memory_space<hbm>> -> memref<1x128xi32, #tpu.memory_space<hbm>>
    tpu.enqueue_dma source(%dma_start3A_115 : memref<1x128xi32, #tpu.memory_space<hbm>>) target(%dma_start3A_113 : memref<1x128xi32, #tpu.memory_space<vmem>>) target_semaphore(%dma_start3A_109 : memref<!tpu.dma_semaphore, #tpu.memory_space<semaphore_mem>>)
    "tpu.region"() ({
      %run_scoped3A = tpu.sem_alloc : memref<!tpu.dma_semaphore, #tpu.memory_space<semaphore_mem>>
      %dma_start3A_141 = arith.constant 640 : i32
      %dma_start3A_142 = tpu.memref_slice %arg6[%dma_start3A_141] : memref<768xf32, #tpu.memory_space<hbm>> -> memref<128xf32, #tpu.memory_space<hbm>>
      %dma_start3A_143 = arith.constant 640 : i32
      %dma_start3A_144 = tpu.memref_slice %arg6[%dma_start3A_143] : memref<768xf32, #tpu.memory_space<hbm>> -> memref<128xf32, #tpu.memory_space<hbm>>
      tpu.enqueue_dma source(%dma_start3A_144 : memref<128xf32, #tpu.memory_space<hbm>>) target(%arg11 : memref<128xf32, #tpu.memory_space<vmem>>) target_semaphore(%run_scoped3A : memref<!tpu.dma_semaphore, #tpu.memory_space<semaphore_mem>>)
      %dma_wait3A = arith.constant 640 : i32
      %dma_wait3A_145 = tpu.memref_slice %arg6[%dma_wait3A] : memref<768xf32, #tpu.memory_space<hbm>> -> memref<128xf32, #tpu.memory_space<hbm>>
      %dma_wait3A_146 = arith.constant 640 : i32
      %dma_wait3A_147 = tpu.memref_slice %arg6[%dma_wait3A_146] : memref<768xf32, #tpu.memory_space<hbm>> -> memref<128xf32, #tpu.memory_space<hbm>>
      tpu.wait_dma2 semaphore(%run_scoped3A : memref<!tpu.dma_semaphore, #tpu.memory_space<semaphore_mem>>) src(%dma_wait3A_147 : memref<128xf32, #tpu.memory_space<hbm>>) dst(%arg11 : memref<128xf32, #tpu.memory_space<vmem>>)
      tpu.yield
    }) : () -> ()
    %eq3A = arith.constant 0 : i32
    %eq3A_116 = arith.cmpi eq, %arg0, %eq3A : i32
    %convert_element_type3A = arith.extui %eq3A_116 : i1 to i32
    %cond3A = arith.constant 0 : i32
    %cond3A_117 = arith.cmpi ne, %convert_element_type3A, %cond3A : i32
    scf.if %cond3A_117 {
      %mul3A_141 = arith.constant 625 : i32
      %mul3A_142 = arith.muli %arg1, %mul3A_141 : i32
      %mul3A_143 = arith.constant 625 : i32
      %mul3A_144 = arith.muli %arg1, %mul3A_143 : i32
      "tpu.region"() ({
        %run_scoped3A = tpu.sem_alloc : memref<!tpu.dma_semaphore, #tpu.memory_space<semaphore_mem>>
        %dma_start3A_145 = arith.constant 0 : i32
        %dma_start3A_146 = tpu.memref_slice %arg12[%mul3A_144, %dma_start3A_145] : memref<10000x128xf32, #tpu.memory_space<vmem_shared>> -> memref<625x128xf32, #tpu.memory_space<vmem_shared>>
        %dma_start3A_147 = arith.constant 0 : i32
        %dma_start3A_148 = tpu.memref_slice %arg4[%mul3A_142, %dma_start3A_147] : memref<10000x128xf32, #tpu.memory_space<hbm>> -> memref<625x128xf32, #tpu.memory_space<hbm>>
        tpu.enqueue_dma source(%dma_start3A_148 : memref<625x128xf32, #tpu.memory_space<hbm>>) target(%dma_start3A_146 : memref<625x128xf32, #tpu.memory_space<vmem_shared>>) target_semaphore(%run_scoped3A : memref<!tpu.dma_semaphore, #tpu.memory_space<semaphore_mem>>)
        %dma_wait3A = arith.constant 0 : i32
        %dma_wait3A_149 = tpu.memref_slice %arg12[%mul3A_144, %dma_wait3A] : memref<10000x128xf32, #tpu.memory_space<vmem_shared>> -> memref<625x128xf32, #tpu.memory_space<vmem_shared>>
        %dma_wait3A_150 = arith.constant 0 : i32
        %dma_wait3A_151 = tpu.memref_slice %arg4[%mul3A_142, %dma_wait3A_150] : memref<10000x128xf32, #tpu.memory_space<hbm>> -> memref<625x128xf32, #tpu.memory_space<hbm>>
        tpu.wait_dma2 semaphore(%run_scoped3A : memref<!tpu.dma_semaphore, #tpu.memory_space<semaphore_mem>>) src(%dma_wait3A_151 : memref<625x128xf32, #tpu.memory_space<hbm>>) dst(%dma_wait3A_149 : memref<625x128xf32, #tpu.memory_space<vmem_shared>>)
        tpu.yield
      }) : () -> ()
    } else {
    }
    %eq3A_118 = arith.constant 1 : i32
    %eq3A_119 = arith.cmpi eq, %arg0, %eq3A_118 : i32
    %convert_element_type3A_120 = arith.extui %eq3A_119 : i1 to i32
    %cond3A_121 = arith.constant 0 : i32
    %cond3A_122 = arith.cmpi ne, %convert_element_type3A_120, %cond3A_121 : i32
    scf.if %cond3A_122 {
      %mul3A_141 = arith.constant 625 : i32
      %mul3A_142 = arith.muli %arg1, %mul3A_141 : i32
      "tpu.region"() ({
        %run_scoped3A = tpu.sem_alloc : memref<!tpu.dma_semaphore, #tpu.memory_space<semaphore_mem>>
        %dma_start3A_143 = arith.constant 0 : i32
        %dma_start3A_144 = tpu.memref_slice %arg12[%mul3A_142, %dma_start3A_143] : memref<10000x128xf32, #tpu.memory_space<vmem_shared>> -> memref<625x128xf32, #tpu.memory_space<vmem_shared>>
        tpu.enqueue_dma source(%arg5 : memref<625x128xf32, #tpu.memory_space<hbm>>) target(%dma_start3A_144 : memref<625x128xf32, #tpu.memory_space<vmem_shared>>) target_semaphore(%run_scoped3A : memref<!tpu.dma_semaphore, #tpu.memory_space<semaphore_mem>>)
        %dma_wait3A = arith.constant 0 : i32
        %dma_wait3A_145 = tpu.memref_slice %arg12[%mul3A_142, %dma_wait3A] : memref<10000x128xf32, #tpu.memory_space<vmem_shared>> -> memref<625x128xf32, #tpu.memory_space<vmem_shared>>
        tpu.wait_dma2 semaphore(%run_scoped3A : memref<!tpu.dma_semaphore, #tpu.memory_space<semaphore_mem>>) src(%arg5 : memref<625x128xf32, #tpu.memory_space<hbm>>) dst(%dma_wait3A_145 : memref<625x128xf32, #tpu.memory_space<vmem_shared>>)
        tpu.yield
      }) : () -> ()
    } else {
    }
    %mul3A_123 = arith.constant 640 : i32
    %mul3A_124 = arith.muli %arg1, %mul3A_123 : i32
    "tpu.region"() ({
      %run_scoped3A = tpu.sem_alloc : memref<!tpu.dma_semaphore, #tpu.memory_space<semaphore_mem>>
      %dma_start3A_141 = tpu.memref_slice %arg13[%mul3A_124] : memref<10240xf32, #tpu.memory_space<vmem_shared>> -> memref<640xf32, #tpu.memory_space<vmem_shared>>
      %dma_start3A_142 = arith.constant 0 : i32
      %dma_start3A_143 = tpu.memref_slice %arg6[%dma_start3A_142] : memref<768xf32, #tpu.memory_space<hbm>> -> memref<640xf32, #tpu.memory_space<hbm>>
      tpu.enqueue_dma source(%dma_start3A_143 : memref<640xf32, #tpu.memory_space<hbm>>) target(%dma_start3A_141 : memref<640xf32, #tpu.memory_space<vmem_shared>>) target_semaphore(%run_scoped3A : memref<!tpu.dma_semaphore, #tpu.memory_space<semaphore_mem>>)
      %dma_wait3A = tpu.memref_slice %arg13[%mul3A_124] : memref<10240xf32, #tpu.memory_space<vmem_shared>> -> memref<640xf32, #tpu.memory_space<vmem_shared>>
      %dma_wait3A_144 = arith.constant 0 : i32
      %dma_wait3A_145 = tpu.memref_slice %arg6[%dma_wait3A_144] : memref<768xf32, #tpu.memory_space<hbm>> -> memref<640xf32, #tpu.memory_space<hbm>>
      tpu.wait_dma2 semaphore(%run_scoped3A : memref<!tpu.dma_semaphore, #tpu.memory_space<semaphore_mem>>) src(%dma_wait3A_145 : memref<640xf32, #tpu.memory_space<hbm>>) dst(%dma_wait3A : memref<640xf32, #tpu.memory_space<vmem_shared>>)
      tpu.yield
    }) : () -> ()
    %barrier3A = arith.constant 0 : index
    tpu.barrier barrier_id(%barrier3A)
    %scan3A = arith.constant 0 : i32
    %scan3A_125 = arith.constant 26 : i32
    %scan3A_126 = arith.addi %scan3A, %scan3A_125 : i32
    %scan3A_127 = arith.constant 1 : i32
    scf.for %scan3A_141 = %scan3A to %scan3A_126 step %scan3A_127  : i32 {
      %mul3A_142 = arith.constant 3 : i32
      %mul3A_143 = arith.muli %scan3A_141, %mul3A_142 : i32
      %dma_wait3A = arith.constant 0 : i32
      %dma_wait3A_144 = arith.constant 0 : i32
      %dma_wait3A_145 = arith.constant 0 : i32
      %dma_wait3A_146 = arith.constant 0 : i32
      %dma_wait3A_147 = tpu.memref_slice %arg10[%dma_wait3A, %dma_wait3A_145, %dma_wait3A_146] : memref<3x128x128xf32, #tpu.memory_space<vmem>> -> memref<1x128x128xf32, #tpu.memory_space<vmem>>
      %dma_wait3A_148 = tpu.memref_squeeze %dma_wait3A_147 : memref<1x128x128xf32, #tpu.memory_space<vmem>> -> memref<128x128xf32, #tpu.memory_space<vmem>>
      %dma_wait3A_149 = arith.constant 0 : i32
      %dma_wait3A_150 = tpu.memref_slice %arg2[%mul3A_8, %dma_wait3A_149] : memref<320000x128xf32, #tpu.memory_space<hbm>> -> memref<128x128xf32, #tpu.memory_space<hbm>>
      %dma_wait3A_151 = tpu.memref_slice %arg14[%dma_wait3A_144] : memref<3x!tpu.dma_semaphore, #tpu.memory_space<semaphore_mem>> -> memref<1x!tpu.dma_semaphore, #tpu.memory_space<semaphore_mem>>
      %dma_wait3A_152 = tpu.memref_squeeze %dma_wait3A_151 : memref<1x!tpu.dma_semaphore, #tpu.memory_space<semaphore_mem>> -> memref<!tpu.dma_semaphore, #tpu.memory_space<semaphore_mem>>
      %dma_wait3A_153 = arith.constant 0 : i32
      %dma_wait3A_154 = arith.constant 0 : i32
      %dma_wait3A_155 = tpu.memref_slice %arg10[%dma_wait3A, %dma_wait3A_153, %dma_wait3A_154] : memref<3x128x128xf32, #tpu.memory_space<vmem>> -> memref<1x128x128xf32, #tpu.memory_space<vmem>>
      %dma_wait3A_156 = tpu.memref_squeeze %dma_wait3A_155 : memref<1x128x128xf32, #tpu.memory_space<vmem>> -> memref<128x128xf32, #tpu.memory_space<vmem>>
      %dma_wait3A_157 = arith.constant 0 : i32
      %dma_wait3A_158 = tpu.memref_slice %arg2[%mul3A_8, %dma_wait3A_157] : memref<320000x128xf32, #tpu.memory_space<hbm>> -> memref<128x128xf32, #tpu.memory_space<hbm>>
      tpu.wait_dma2 semaphore(%dma_wait3A_152 : memref<!tpu.dma_semaphore, #tpu.memory_space<semaphore_mem>>) src(%dma_wait3A_158 : memref<128x128xf32, #tpu.memory_space<hbm>>) dst(%dma_wait3A_156 : memref<128x128xf32, #tpu.memory_space<vmem>>)
      %dma_wait3A_159 = arith.constant 0 : i32
      %dma_wait3A_160 = arith.constant 0 : i32
      %dma_wait3A_161 = arith.constant 0 : i32
      %dma_wait3A_162 = arith.constant 0 : i32
      %dma_wait3A_163 = tpu.memref_slice %arg9[%dma_wait3A_159, %dma_wait3A_161, %dma_wait3A_162] : memref<3x1x128xi32, #tpu.memory_space<vmem>> -> memref<1x1x128xi32, #tpu.memory_space<vmem>>
      %dma_wait3A_164 = tpu.memref_squeeze %dma_wait3A_163 : memref<1x1x128xi32, #tpu.memory_space<vmem>> -> memref<1x128xi32, #tpu.memory_space<vmem>>
      %dma_wait3A_165 = arith.constant 0 : i32
      %dma_wait3A_166 = tpu.memref_slice %arg3[%mul3A_3, %dma_wait3A_165] : memref<2500x128xi32, #tpu.memory_space<hbm>> -> memref<1x128xi32, #tpu.memory_space<hbm>>
      %dma_wait3A_167 = tpu.memref_slice %arg15[%dma_wait3A_160] : memref<3x!tpu.dma_semaphore, #tpu.memory_space<semaphore_mem>> -> memref<1x!tpu.dma_semaphore, #tpu.memory_space<semaphore_mem>>
      %dma_wait3A_168 = tpu.memref_squeeze %dma_wait3A_167 : memref<1x!tpu.dma_semaphore, #tpu.memory_space<semaphore_mem>> -> memref<!tpu.dma_semaphore, #tpu.memory_space<semaphore_mem>>
      %dma_wait3A_169 = arith.constant 0 : i32
      %dma_wait3A_170 = arith.constant 0 : i32
      %dma_wait3A_171 = tpu.memref_slice %arg9[%dma_wait3A_159, %dma_wait3A_169, %dma_wait3A_170] : memref<3x1x128xi32, #tpu.memory_space<vmem>> -> memref<1x1x128xi32, #tpu.memory_space<vmem>>
      %dma_wait3A_172 = tpu.memref_squeeze %dma_wait3A_171 : memref<1x1x128xi32, #tpu.memory_space<vmem>> -> memref<1x128xi32, #tpu.memory_space<vmem>>
      %dma_wait3A_173 = arith.constant 0 : i32
      %dma_wait3A_174 = tpu.memref_slice %arg3[%mul3A_3, %dma_wait3A_173] : memref<2500x128xi32, #tpu.memory_space<hbm>> -> memref<1x128xi32, #tpu.memory_space<hbm>>
      tpu.wait_dma2 semaphore(%dma_wait3A_168 : memref<!tpu.dma_semaphore, #tpu.memory_space<semaphore_mem>>) src(%dma_wait3A_174 : memref<1x128xi32, #tpu.memory_space<hbm>>) dst(%dma_wait3A_172 : memref<1x128xi32, #tpu.memory_space<vmem>>)
      %dma_start3A_175 = arith.constant 0 : i32
      %dma_start3A_176 = arith.constant 0 : i32
      %dma_start3A_177 = arith.constant 0 : i32
      %dma_start3A_178 = arith.constant 0 : i32
      %dma_start3A_179 = arith.constant 0 : i32
      %dma_start3A_180 = arith.constant 0 : i32
      %dma_start3A_181 = tpu.memref_slice %arg10[%dma_start3A_175, %dma_start3A_179, %dma_start3A_180] : memref<3x128x128xf32, #tpu.memory_space<vmem>> -> memref<1x128x128xf32, #tpu.memory_space<vmem>>
      %dma_start3A_182 = tpu.memref_squeeze %dma_start3A_181 : memref<1x128x128xf32, #tpu.memory_space<vmem>> -> memref<128x128xf32, #tpu.memory_space<vmem>>
      %dma_start3A_183 = arith.constant 0 : i32
      %dma_start3A_184 = tpu.memref_slice %arg9[%dma_start3A_176, %dma_start3A_177, %dma_start3A_183] : memref<3x1x128xi32, #tpu.memory_space<vmem>> -> memref<1x1x128xi32, #tpu.memory_space<vmem>>
      %dma_start3A_185 = tpu.memref_squeeze %dma_start3A_184 : memref<1x1x128xi32, #tpu.memory_space<vmem>> -> memref<128xi32, #tpu.memory_space<vmem>>
      %dma_start3A_186 = arith.constant 0 : i32
      %dma_start3A_187 = arith.constant 0 : i32
      %dma_start3A_188 = tpu.memref_slice %arg12[%dma_start3A_186, %dma_start3A_187] : memref<10000x128xf32, #tpu.memory_space<vmem_shared>> -> memref<10000x128xf32, #tpu.memory_space<vmem_shared>>
      %dma_start3A_189 = tpu.memref_slice %arg16[%dma_start3A_178] : memref<3x!tpu.dma_semaphore, #tpu.memory_space<semaphore_mem>> -> memref<1x!tpu.dma_semaphore, #tpu.memory_space<semaphore_mem>>
      %dma_start3A_190 = tpu.memref_squeeze %dma_start3A_189 : memref<1x!tpu.dma_semaphore, #tpu.memory_space<semaphore_mem>> -> memref<!tpu.dma_semaphore, #tpu.memory_space<semaphore_mem>>
      tpu.enqueue_indirect_dma source(%dma_start3A_182 : memref<128x128xf32, #tpu.memory_space<vmem>>) target(%dma_start3A_188 : memref<10000x128xf32, #tpu.memory_space<vmem_shared>>) offsets(%dma_start3A_185 : memref<128xi32, #tpu.memory_space<vmem>>) semaphore(%dma_start3A_190 : memref<!tpu.dma_semaphore, #tpu.memory_space<semaphore_mem>>) {add = true}
      %dma_start3A_191 = arith.constant 0 : i32
      %dma_start3A_192 = arith.constant 0 : i32
      %dma_start3A_193 = arith.constant 0 : i32
      %dma_start3A_194 = tpu.memref_slice %arg9[%dma_start3A_191, %dma_start3A_192, %dma_start3A_193] : memref<3x1x128xi32, #tpu.memory_space<vmem>> -> memref<1x1x128xi32, #tpu.memory_space<vmem>>
      %dma_start3A_195 = tpu.memref_squeeze %dma_start3A_194 : memref<1x1x128xi32, #tpu.memory_space<vmem>> -> memref<128xi32, #tpu.memory_space<vmem>>
      %dma_start3A_196 = arith.constant 0 : i32
      %dma_start3A_197 = tpu.memref_slice %arg13[%dma_start3A_196] : memref<10240xf32, #tpu.memory_space<vmem_shared>> -> memref<10240xf32, #tpu.memory_space<vmem_shared>>
      tpu.enqueue_indirect_dma source(%arg11 : memref<128xf32, #tpu.memory_space<vmem>>) target(%dma_start3A_197 : memref<10240xf32, #tpu.memory_space<vmem_shared>>) offsets(%dma_start3A_195 : memref<128xi32, #tpu.memory_space<vmem>>) semaphore(%arg17 : memref<!tpu.dma_semaphore, #tpu.memory_space<semaphore_mem>>) {add = true}
      %dma_wait3A_198 = arith.constant 1 : i32
      %dma_wait3A_199 = arith.constant 1 : i32
      %dma_wait3A_200 = arith.constant 0 : i32
      %dma_wait3A_201 = arith.constant 0 : i32
      %dma_wait3A_202 = tpu.memref_slice %arg10[%dma_wait3A_198, %dma_wait3A_200, %dma_wait3A_201] : memref<3x128x128xf32, #tpu.memory_space<vmem>> -> memref<1x128x128xf32, #tpu.memory_space<vmem>>
      %dma_wait3A_203 = tpu.memref_squeeze %dma_wait3A_202 : memref<1x128x128xf32, #tpu.memory_space<vmem>> -> memref<128x128xf32, #tpu.memory_space<vmem>>
      %dma_wait3A_204 = arith.constant 0 : i32
      %dma_wait3A_205 = tpu.memref_slice %arg2[%mul3A_8, %dma_wait3A_204] : memref<320000x128xf32, #tpu.memory_space<hbm>> -> memref<128x128xf32, #tpu.memory_space<hbm>>
      %dma_wait3A_206 = tpu.memref_slice %arg14[%dma_wait3A_199] : memref<3x!tpu.dma_semaphore, #tpu.memory_space<semaphore_mem>> -> memref<1x!tpu.dma_semaphore, #tpu.memory_space<semaphore_mem>>
      %dma_wait3A_207 = tpu.memref_squeeze %dma_wait3A_206 : memref<1x!tpu.dma_semaphore, #tpu.memory_space<semaphore_mem>> -> memref<!tpu.dma_semaphore, #tpu.memory_space<semaphore_mem>>
      %dma_wait3A_208 = arith.constant 0 : i32
      %dma_wait3A_209 = arith.constant 0 : i32
      %dma_wait3A_210 = tpu.memref_slice %arg10[%dma_wait3A_198, %dma_wait3A_208, %dma_wait3A_209] : memref<3x128x128xf32, #tpu.memory_space<vmem>> -> memref<1x128x128xf32, #tpu.memory_space<vmem>>
      %dma_wait3A_211 = tpu.memref_squeeze %dma_wait3A_210 : memref<1x128x128xf32, #tpu.memory_space<vmem>> -> memref<128x128xf32, #tpu.memory_space<vmem>>
      %dma_wait3A_212 = arith.constant 0 : i32
      %dma_wait3A_213 = tpu.memref_slice %arg2[%mul3A_8, %dma_wait3A_212] : memref<320000x128xf32, #tpu.memory_space<hbm>> -> memref<128x128xf32, #tpu.memory_space<hbm>>
      tpu.wait_dma2 semaphore(%dma_wait3A_207 : memref<!tpu.dma_semaphore, #tpu.memory_space<semaphore_mem>>) src(%dma_wait3A_213 : memref<128x128xf32, #tpu.memory_space<hbm>>) dst(%dma_wait3A_211 : memref<128x128xf32, #tpu.memory_space<vmem>>)
      %dma_wait3A_214 = arith.constant 1 : i32
      %dma_wait3A_215 = arith.constant 1 : i32
      %dma_wait3A_216 = arith.constant 0 : i32
      %dma_wait3A_217 = arith.constant 0 : i32
      %dma_wait3A_218 = tpu.memref_slice %arg9[%dma_wait3A_214, %dma_wait3A_216, %dma_wait3A_217] : memref<3x1x128xi32, #tpu.memory_space<vmem>> -> memref<1x1x128xi32, #tpu.memory_space<vmem>>
      %dma_wait3A_219 = tpu.memref_squeeze %dma_wait3A_218 : memref<1x1x128xi32, #tpu.memory_space<vmem>> -> memref<1x128xi32, #tpu.memory_space<vmem>>
      %dma_wait3A_220 = arith.constant 0 : i32
      %dma_wait3A_221 = tpu.memref_slice %arg3[%mul3A_3, %dma_wait3A_220] : memref<2500x128xi32, #tpu.memory_space<hbm>> -> memref<1x128xi32, #tpu.memory_space<hbm>>
      %dma_wait3A_222 = tpu.memref_slice %arg15[%dma_wait3A_215] : memref<3x!tpu.dma_semaphore, #tpu.memory_space<semaphore_mem>> -> memref<1x!tpu.dma_semaphore, #tpu.memory_space<semaphore_mem>>
      %dma_wait3A_223 = tpu.memref_squeeze %dma_wait3A_222 : memref<1x!tpu.dma_semaphore, #tpu.memory_space<semaphore_mem>> -> memref<!tpu.dma_semaphore, #tpu.memory_space<semaphore_mem>>
      %dma_wait3A_224 = arith.constant 0 : i32
      %dma_wait3A_225 = arith.constant 0 : i32
      %dma_wait3A_226 = tpu.memref_slice %arg9[%dma_wait3A_214, %dma_wait3A_224, %dma_wait3A_225] : memref<3x1x128xi32, #tpu.memory_space<vmem>> -> memref<1x1x128xi32, #tpu.memory_space<vmem>>
      %dma_wait3A_227 = tpu.memref_squeeze %dma_wait3A_226 : memref<1x1x128xi32, #tpu.memory_space<vmem>> -> memref<1x128xi32, #tpu.memory_space<vmem>>
      %dma_wait3A_228 = arith.constant 0 : i32
      %dma_wait3A_229 = tpu.memref_slice %arg3[%mul3A_3, %dma_wait3A_228] : memref<2500x128xi32, #tpu.memory_space<hbm>> -> memref<1x128xi32, #tpu.memory_space<hbm>>
      tpu.wait_dma2 semaphore(%dma_wait3A_223 : memref<!tpu.dma_semaphore, #tpu.memory_space<semaphore_mem>>) src(%dma_wait3A_229 : memref<1x128xi32, #tpu.memory_space<hbm>>) dst(%dma_wait3A_227 : memref<1x128xi32, #tpu.memory_space<vmem>>)
      %dma_start3A_230 = arith.constant 1 : i32
      %dma_start3A_231 = arith.constant 1 : i32
      %dma_start3A_232 = arith.constant 0 : i32
      %dma_start3A_233 = arith.constant 1 : i32
      %dma_start3A_234 = arith.constant 0 : i32
      %dma_start3A_235 = arith.constant 0 : i32
      %dma_start3A_236 = tpu.memref_slice %arg10[%dma_start3A_230, %dma_start3A_234, %dma_start3A_235] : memref<3x128x128xf32, #tpu.memory_space<vmem>> -> memref<1x128x128xf32, #tpu.memory_space<vmem>>
      %dma_start3A_237 = tpu.memref_squeeze %dma_start3A_236 : memref<1x128x128xf32, #tpu.memory_space<vmem>> -> memref<128x128xf32, #tpu.memory_space<vmem>>
      %dma_start3A_238 = arith.constant 0 : i32
      %dma_start3A_239 = tpu.memref_slice %arg9[%dma_start3A_231, %dma_start3A_232, %dma_start3A_238] : memref<3x1x128xi32, #tpu.memory_space<vmem>> -> memref<1x1x128xi32, #tpu.memory_space<vmem>>
      %dma_start3A_240 = tpu.memref_squeeze %dma_start3A_239 : memref<1x1x128xi32, #tpu.memory_space<vmem>> -> memref<128xi32, #tpu.memory_space<vmem>>
      %dma_start3A_241 = arith.constant 0 : i32
      %dma_start3A_242 = arith.constant 0 : i32
      %dma_start3A_243 = tpu.memref_slice %arg12[%dma_start3A_241, %dma_start3A_242] : memref<10000x128xf32, #tpu.memory_space<vmem_shared>> -> memref<10000x128xf32, #tpu.memory_space<vmem_shared>>
      %dma_start3A_244 = tpu.memref_slice %arg16[%dma_start3A_233] : memref<3x!tpu.dma_semaphore, #tpu.memory_space<semaphore_mem>> -> memref<1x!tpu.dma_semaphore, #tpu.memory_space<semaphore_mem>>
      %dma_start3A_245 = tpu.memref_squeeze %dma_start3A_244 : memref<1x!tpu.dma_semaphore, #tpu.memory_space<semaphore_mem>> -> memref<!tpu.dma_semaphore, #tpu.memory_space<semaphore_mem>>
      tpu.enqueue_indirect_dma source(%dma_start3A_237 : memref<128x128xf32, #tpu.memory_space<vmem>>) target(%dma_start3A_243 : memref<10000x128xf32, #tpu.memory_space<vmem_shared>>) offsets(%dma_start3A_240 : memref<128xi32, #tpu.memory_space<vmem>>) semaphore(%dma_start3A_245 : memref<!tpu.dma_semaphore, #tpu.memory_space<semaphore_mem>>) {add = true}
      %dma_start3A_246 = arith.constant 1 : i32
      %dma_start3A_247 = arith.constant 0 : i32
      %dma_start3A_248 = arith.constant 0 : i32
      %dma_start3A_249 = tpu.memref_slice %arg9[%dma_start3A_246, %dma_start3A_247, %dma_start3A_248] : memref<3x1x128xi32, #tpu.memory_space<vmem>> -> memref<1x1x128xi32, #tpu.memory_space<vmem>>
      %dma_start3A_250 = tpu.memref_squeeze %dma_start3A_249 : memref<1x1x128xi32, #tpu.memory_space<vmem>> -> memref<128xi32, #tpu.memory_space<vmem>>
      %dma_start3A_251 = arith.constant 0 : i32
      %dma_start3A_252 = tpu.memref_slice %arg13[%dma_start3A_251] : memref<10240xf32, #tpu.memory_space<vmem_shared>> -> memref<10240xf32, #tpu.memory_space<vmem_shared>>
      tpu.enqueue_indirect_dma source(%arg11 : memref<128xf32, #tpu.memory_space<vmem>>) target(%dma_start3A_252 : memref<10240xf32, #tpu.memory_space<vmem_shared>>) offsets(%dma_start3A_250 : memref<128xi32, #tpu.memory_space<vmem>>) semaphore(%arg17 : memref<!tpu.dma_semaphore, #tpu.memory_space<semaphore_mem>>) {add = true}
      %dma_wait3A_253 = arith.constant 2 : i32
      %dma_wait3A_254 = arith.constant 2 : i32
      %dma_wait3A_255 = arith.constant 0 : i32
      %dma_wait3A_256 = arith.constant 0 : i32
      %dma_wait3A_257 = tpu.memref_slice %arg10[%dma_wait3A_253, %dma_wait3A_255, %dma_wait3A_256] : memref<3x128x128xf32, #tpu.memory_space<vmem>> -> memref<1x128x128xf32, #tpu.memory_space<vmem>>
      %dma_wait3A_258 = tpu.memref_squeeze %dma_wait3A_257 : memref<1x128x128xf32, #tpu.memory_space<vmem>> -> memref<128x128xf32, #tpu.memory_space<vmem>>
      %dma_wait3A_259 = arith.constant 0 : i32
      %dma_wait3A_260 = tpu.memref_slice %arg2[%mul3A_8, %dma_wait3A_259] : memref<320000x128xf32, #tpu.memory_space<hbm>> -> memref<128x128xf32, #tpu.memory_space<hbm>>
      %dma_wait3A_261 = tpu.memref_slice %arg14[%dma_wait3A_254] : memref<3x!tpu.dma_semaphore, #tpu.memory_space<semaphore_mem>> -> memref<1x!tpu.dma_semaphore, #tpu.memory_space<semaphore_mem>>
      %dma_wait3A_262 = tpu.memref_squeeze %dma_wait3A_261 : memref<1x!tpu.dma_semaphore, #tpu.memory_space<semaphore_mem>> -> memref<!tpu.dma_semaphore, #tpu.memory_space<semaphore_mem>>
      %dma_wait3A_263 = arith.constant 0 : i32
      %dma_wait3A_264 = arith.constant 0 : i32
      %dma_wait3A_265 = tpu.memref_slice %arg10[%dma_wait3A_253, %dma_wait3A_263, %dma_wait3A_264] : memref<3x128x128xf32, #tpu.memory_space<vmem>> -> memref<1x128x128xf32, #tpu.memory_space<vmem>>
      %dma_wait3A_266 = tpu.memref_squeeze %dma_wait3A_265 : memref<1x128x128xf32, #tpu.memory_space<vmem>> -> memref<128x128xf32, #tpu.memory_space<vmem>>
      %dma_wait3A_267 = arith.constant 0 : i32
      %dma_wait3A_268 = tpu.memref_slice %arg2[%mul3A_8, %dma_wait3A_267] : memref<320000x128xf32, #tpu.memory_space<hbm>> -> memref<128x128xf32, #tpu.memory_space<hbm>>
      tpu.wait_dma2 semaphore(%dma_wait3A_262 : memref<!tpu.dma_semaphore, #tpu.memory_space<semaphore_mem>>) src(%dma_wait3A_268 : memref<128x128xf32, #tpu.memory_space<hbm>>) dst(%dma_wait3A_266 : memref<128x128xf32, #tpu.memory_space<vmem>>)
      %dma_wait3A_269 = arith.constant 2 : i32
      %dma_wait3A_270 = arith.constant 2 : i32
      %dma_wait3A_271 = arith.constant 0 : i32
      %dma_wait3A_272 = arith.constant 0 : i32
      %dma_wait3A_273 = tpu.memref_slice %arg9[%dma_wait3A_269, %dma_wait3A_271, %dma_wait3A_272] : memref<3x1x128xi32, #tpu.memory_space<vmem>> -> memref<1x1x128xi32, #tpu.memory_space<vmem>>
      %dma_wait3A_274 = tpu.memref_squeeze %dma_wait3A_273 : memref<1x1x128xi32, #tpu.memory_space<vmem>> -> memref<1x128xi32, #tpu.memory_space<vmem>>
      %dma_wait3A_275 = arith.constant 0 : i32
      %dma_wait3A_276 = tpu.memref_slice %arg3[%mul3A_3, %dma_wait3A_275] : memref<2500x128xi32, #tpu.memory_space<hbm>> -> memref<1x128xi32, #tpu.memory_space<hbm>>
      %dma_wait3A_277 = tpu.memref_slice %arg15[%dma_wait3A_270] : memref<3x!tpu.dma_semaphore, #tpu.memory_space<semaphore_mem>> -> memref<1x!tpu.dma_semaphore, #tpu.memory_space<semaphore_mem>>
      %dma_wait3A_278 = tpu.memref_squeeze %dma_wait3A_277 : memref<1x!tpu.dma_semaphore, #tpu.memory_space<semaphore_mem>> -> memref<!tpu.dma_semaphore, #tpu.memory_space<semaphore_mem>>
      %dma_wait3A_279 = arith.constant 0 : i32
      %dma_wait3A_280 = arith.constant 0 : i32
      %dma_wait3A_281 = tpu.memref_slice %arg9[%dma_wait3A_269, %dma_wait3A_279, %dma_wait3A_280] : memref<3x1x128xi32, #tpu.memory_space<vmem>> -> memref<1x1x128xi32, #tpu.memory_space<vmem>>
      %dma_wait3A_282 = tpu.memref_squeeze %dma_wait3A_281 : memref<1x1x128xi32, #tpu.memory_space<vmem>> -> memref<1x128xi32, #tpu.memory_space<vmem>>
      %dma_wait3A_283 = arith.constant 0 : i32
      %dma_wait3A_284 = tpu.memref_slice %arg3[%mul3A_3, %dma_wait3A_283] : memref<2500x128xi32, #tpu.memory_space<hbm>> -> memref<1x128xi32, #tpu.memory_space<hbm>>
      tpu.wait_dma2 semaphore(%dma_wait3A_278 : memref<!tpu.dma_semaphore, #tpu.memory_space<semaphore_mem>>) src(%dma_wait3A_284 : memref<1x128xi32, #tpu.memory_space<hbm>>) dst(%dma_wait3A_282 : memref<1x128xi32, #tpu.memory_space<vmem>>)
      %dma_start3A_285 = arith.constant 2 : i32
      %dma_start3A_286 = arith.constant 2 : i32
      %dma_start3A_287 = arith.constant 0 : i32
      %dma_start3A_288 = arith.constant 2 : i32
      %dma_start3A_289 = arith.constant 0 : i32
      %dma_start3A_290 = arith.constant 0 : i32
      %dma_start3A_291 = tpu.memref_slice %arg10[%dma_start3A_285, %dma_start3A_289, %dma_start3A_290] : memref<3x128x128xf32, #tpu.memory_space<vmem>> -> memref<1x128x128xf32, #tpu.memory_space<vmem>>
      %dma_start3A_292 = tpu.memref_squeeze %dma_start3A_291 : memref<1x128x128xf32, #tpu.memory_space<vmem>> -> memref<128x128xf32, #tpu.memory_space<vmem>>
      %dma_start3A_293 = arith.constant 0 : i32
      %dma_start3A_294 = tpu.memref_slice %arg9[%dma_start3A_286, %dma_start3A_287, %dma_start3A_293] : memref<3x1x128xi32, #tpu.memory_space<vmem>> -> memref<1x1x128xi32, #tpu.memory_space<vmem>>
      %dma_start3A_295 = tpu.memref_squeeze %dma_start3A_294 : memref<1x1x128xi32, #tpu.memory_space<vmem>> -> memref<128xi32, #tpu.memory_space<vmem>>
      %dma_start3A_296 = arith.constant 0 : i32
      %dma_start3A_297 = arith.constant 0 : i32
      %dma_start3A_298 = tpu.memref_slice %arg12[%dma_start3A_296, %dma_start3A_297] : memref<10000x128xf32, #tpu.memory_space<vmem_shared>> -> memref<10000x128xf32, #tpu.memory_space<vmem_shared>>
      %dma_start3A_299 = tpu.memref_slice %arg16[%dma_start3A_288] : memref<3x!tpu.dma_semaphore, #tpu.memory_space<semaphore_mem>> -> memref<1x!tpu.dma_semaphore, #tpu.memory_space<semaphore_mem>>
      %dma_start3A_300 = tpu.memref_squeeze %dma_start3A_299 : memref<1x!tpu.dma_semaphore, #tpu.memory_space<semaphore_mem>> -> memref<!tpu.dma_semaphore, #tpu.memory_space<semaphore_mem>>
      tpu.enqueue_indirect_dma source(%dma_start3A_292 : memref<128x128xf32, #tpu.memory_space<vmem>>) target(%dma_start3A_298 : memref<10000x128xf32, #tpu.memory_space<vmem_shared>>) offsets(%dma_start3A_295 : memref<128xi32, #tpu.memory_space<vmem>>) semaphore(%dma_start3A_300 : memref<!tpu.dma_semaphore, #tpu.memory_space<semaphore_mem>>) {add = true}
      %dma_start3A_301 = arith.constant 2 : i32
      %dma_start3A_302 = arith.constant 0 : i32
      %dma_start3A_303 = arith.constant 0 : i32
      %dma_start3A_304 = tpu.memref_slice %arg9[%dma_start3A_301, %dma_start3A_302, %dma_start3A_303] : memref<3x1x128xi32, #tpu.memory_space<vmem>> -> memref<1x1x128xi32, #tpu.memory_space<vmem>>
      %dma_start3A_305 = tpu.memref_squeeze %dma_start3A_304 : memref<1x1x128xi32, #tpu.memory_space<vmem>> -> memref<128xi32, #tpu.memory_space<vmem>>
      %dma_start3A_306 = arith.constant 0 : i32
      %dma_start3A_307 = tpu.memref_slice %arg13[%dma_start3A_306] : memref<10240xf32, #tpu.memory_space<vmem_shared>> -> memref<10240xf32, #tpu.memory_space<vmem_shared>>
      tpu.enqueue_indirect_dma source(%arg11 : memref<128xf32, #tpu.memory_space<vmem>>) target(%dma_start3A_307 : memref<10240xf32, #tpu.memory_space<vmem_shared>>) offsets(%dma_start3A_305 : memref<128xi32, #tpu.memory_space<vmem>>) semaphore(%arg17 : memref<!tpu.dma_semaphore, #tpu.memory_space<semaphore_mem>>) {add = true}
      %dma_wait3A_308 = arith.constant 0 : i32
      %dma_wait3A_309 = arith.constant 0 : i32
      %dma_wait3A_310 = arith.constant 0 : i32
      %dma_wait3A_311 = arith.constant 0 : i32
      %dma_wait3A_312 = arith.constant 0 : i32
      %dma_wait3A_313 = arith.constant 0 : i32
      %dma_wait3A_314 = tpu.memref_slice %arg10[%dma_wait3A_308, %dma_wait3A_312, %dma_wait3A_313] : memref<3x128x128xf32, #tpu.memory_space<vmem>> -> memref<1x128x128xf32, #tpu.memory_space<vmem>>
      %dma_wait3A_315 = tpu.memref_squeeze %dma_wait3A_314 : memref<1x128x128xf32, #tpu.memory_space<vmem>> -> memref<128x128xf32, #tpu.memory_space<vmem>>
      %dma_wait3A_316 = arith.constant 0 : i32
      %dma_wait3A_317 = tpu.memref_slice %arg9[%dma_wait3A_309, %dma_wait3A_310, %dma_wait3A_316] : memref<3x1x128xi32, #tpu.memory_space<vmem>> -> memref<1x1x128xi32, #tpu.memory_space<vmem>>
      %dma_wait3A_318 = tpu.memref_squeeze %dma_wait3A_317 : memref<1x1x128xi32, #tpu.memory_space<vmem>> -> memref<128xi32, #tpu.memory_space<vmem>>
      %dma_wait3A_319 = arith.constant 0 : i32
      %dma_wait3A_320 = arith.constant 0 : i32
      %dma_wait3A_321 = tpu.memref_slice %arg12[%dma_wait3A_319, %dma_wait3A_320] : memref<10000x128xf32, #tpu.memory_space<vmem_shared>> -> memref<10000x128xf32, #tpu.memory_space<vmem_shared>>
      %dma_wait3A_322 = tpu.memref_slice %arg16[%dma_wait3A_311] : memref<3x!tpu.dma_semaphore, #tpu.memory_space<semaphore_mem>> -> memref<1x!tpu.dma_semaphore, #tpu.memory_space<semaphore_mem>>
      %dma_wait3A_323 = tpu.memref_squeeze %dma_wait3A_322 : memref<1x!tpu.dma_semaphore, #tpu.memory_space<semaphore_mem>> -> memref<!tpu.dma_semaphore, #tpu.memory_space<semaphore_mem>>
      tpu.wait_indirect_dma semaphore(%dma_wait3A_323 : memref<!tpu.dma_semaphore, #tpu.memory_space<semaphore_mem>>) src(%dma_wait3A_315 : memref<128x128xf32, #tpu.memory_space<vmem>>) dst(%dma_wait3A_321 : memref<10000x128xf32, #tpu.memory_space<vmem_shared>>)
      %dma_wait3A_324 = arith.constant 0 : i32
      %dma_wait3A_325 = arith.constant 0 : i32
      %dma_wait3A_326 = arith.constant 0 : i32
      %dma_wait3A_327 = tpu.memref_slice %arg9[%dma_wait3A_324, %dma_wait3A_325, %dma_wait3A_326] : memref<3x1x128xi32, #tpu.memory_space<vmem>> -> memref<1x1x128xi32, #tpu.memory_space<vmem>>
      %dma_wait3A_328 = tpu.memref_squeeze %dma_wait3A_327 : memref<1x1x128xi32, #tpu.memory_space<vmem>> -> memref<128xi32, #tpu.memory_space<vmem>>
      %dma_wait3A_329 = arith.constant 0 : i32
      %dma_wait3A_330 = tpu.memref_slice %arg13[%dma_wait3A_329] : memref<10240xf32, #tpu.memory_space<vmem_shared>> -> memref<10240xf32, #tpu.memory_space<vmem_shared>>
      tpu.wait_indirect_dma semaphore(%arg17 : memref<!tpu.dma_semaphore, #tpu.memory_space<semaphore_mem>>) src(%arg11 : memref<128xf32, #tpu.memory_space<vmem>>) dst(%dma_wait3A_330 : memref<10240xf32, #tpu.memory_space<vmem_shared>>)
      %add3A_331 = arith.constant 3 : i32
      %add3A_332 = arith.addi %mul3A_143, %add3A_331 : i32
      %add3A_333 = arith.constant 0 : i32
      %add3A_334 = arith.addi %add3A_332, %add3A_333 : i32
      %lt3A = arith.constant 78 : i32
      %lt3A_335 = arith.cmpi slt, %add3A_334, %lt3A : i32
      %convert_element_type3A_336 = arith.extui %lt3A_335 : i1 to i32
      %cond3A_337 = arith.constant 0 : i32
      %cond3A_338 = arith.cmpi ne, %convert_element_type3A_336, %cond3A_337 : i32
      scf.if %cond3A_338 {
        %mul3A_403 = arith.constant 128 : i32
        %mul3A_404 = arith.muli %add3A_334, %mul3A_403 : i32
        %add3A_405 = arith.addi %mul3A_8, %mul3A_404 : i32
        %dma_start3A_406 = arith.constant 0 : i32
        %dma_start3A_407 = arith.constant 0 : i32
        %dma_start3A_408 = arith.constant 0 : i32
        %dma_start3A_409 = arith.constant 0 : i32
        %dma_start3A_410 = tpu.memref_slice %arg10[%dma_start3A_406, %dma_start3A_408, %dma_start3A_409] : memref<3x128x128xf32, #tpu.memory_space<vmem>> -> memref<1x128x128xf32, #tpu.memory_space<vmem>>
        %dma_start3A_411 = tpu.memref_squeeze %dma_start3A_410 : memref<1x128x128xf32, #tpu.memory_space<vmem>> -> memref<128x128xf32, #tpu.memory_space<vmem>>
        %dma_start3A_412 = arith.constant 0 : i32
        %dma_start3A_413 = tpu.memref_slice %arg2[%add3A_405, %dma_start3A_412] : memref<320000x128xf32, #tpu.memory_space<hbm>> -> memref<128x128xf32, #tpu.memory_space<hbm>>
        %dma_start3A_414 = tpu.memref_slice %arg14[%dma_start3A_407] : memref<3x!tpu.dma_semaphore, #tpu.memory_space<semaphore_mem>> -> memref<1x!tpu.dma_semaphore, #tpu.memory_space<semaphore_mem>>
        %dma_start3A_415 = tpu.memref_squeeze %dma_start3A_414 : memref<1x!tpu.dma_semaphore, #tpu.memory_space<semaphore_mem>> -> memref<!tpu.dma_semaphore, #tpu.memory_space<semaphore_mem>>
        %dma_start3A_416 = arith.constant 0 : i32
        %dma_start3A_417 = arith.constant 0 : i32
        %dma_start3A_418 = tpu.memref_slice %arg10[%dma_start3A_406, %dma_start3A_416, %dma_start3A_417] : memref<3x128x128xf32, #tpu.memory_space<vmem>> -> memref<1x128x128xf32, #tpu.memory_space<vmem>>
        %dma_start3A_419 = tpu.memref_squeeze %dma_start3A_418 : memref<1x128x128xf32, #tpu.memory_space<vmem>> -> memref<128x128xf32, #tpu.memory_space<vmem>>
        %dma_start3A_420 = arith.constant 0 : i32
        %dma_start3A_421 = tpu.memref_slice %arg2[%add3A_405, %dma_start3A_420] : memref<320000x128xf32, #tpu.memory_space<hbm>> -> memref<128x128xf32, #tpu.memory_space<hbm>>
        tpu.enqueue_dma source(%dma_start3A_421 : memref<128x128xf32, #tpu.memory_space<hbm>>) target(%dma_start3A_419 : memref<128x128xf32, #tpu.memory_space<vmem>>) target_semaphore(%dma_start3A_415 : memref<!tpu.dma_semaphore, #tpu.memory_space<semaphore_mem>>)
        %add3A_422 = arith.addi %mul3A_3, %add3A_334 : i32
        %dma_start3A_423 = arith.constant 0 : i32
        %dma_start3A_424 = arith.constant 0 : i32
        %dma_start3A_425 = arith.constant 0 : i32
        %dma_start3A_426 = arith.constant 0 : i32
        %dma_start3A_427 = tpu.memref_slice %arg9[%dma_start3A_423, %dma_start3A_425, %dma_start3A_426] : memref<3x1x128xi32, #tpu.memory_space<vmem>> -> memref<1x1x128xi32, #tpu.memory_space<vmem>>
        %dma_start3A_428 = tpu.memref_squeeze %dma_start3A_427 : memref<1x1x128xi32, #tpu.memory_space<vmem>> -> memref<1x128xi32, #tpu.memory_space<vmem>>
        %dma_start3A_429 = arith.constant 0 : i32
        %dma_start3A_430 = tpu.memref_slice %arg3[%add3A_422, %dma_start3A_429] : memref<2500x128xi32, #tpu.memory_space<hbm>> -> memref<1x128xi32, #tpu.memory_space<hbm>>
        %dma_start3A_431 = tpu.memref_slice %arg15[%dma_start3A_424] : memref<3x!tpu.dma_semaphore, #tpu.memory_space<semaphore_mem>> -> memref<1x!tpu.dma_semaphore, #tpu.memory_space<semaphore_mem>>
        %dma_start3A_432 = tpu.memref_squeeze %dma_start3A_431 : memref<1x!tpu.dma_semaphore, #tpu.memory_space<semaphore_mem>> -> memref<!tpu.dma_semaphore, #tpu.memory_space<semaphore_mem>>
        %dma_start3A_433 = arith.constant 0 : i32
        %dma_start3A_434 = arith.constant 0 : i32
        %dma_start3A_435 = tpu.memref_slice %arg9[%dma_start3A_423, %dma_start3A_433, %dma_start3A_434] : memref<3x1x128xi32, #tpu.memory_space<vmem>> -> memref<1x1x128xi32, #tpu.memory_space<vmem>>
        %dma_start3A_436 = tpu.memref_squeeze %dma_start3A_435 : memref<1x1x128xi32, #tpu.memory_space<vmem>> -> memref<1x128xi32, #tpu.memory_space<vmem>>
        %dma_start3A_437 = arith.constant 0 : i32
        %dma_start3A_438 = tpu.memref_slice %arg3[%add3A_422, %dma_start3A_437] : memref<2500x128xi32, #tpu.memory_space<hbm>> -> memref<1x128xi32, #tpu.memory_space<hbm>>
        tpu.enqueue_dma source(%dma_start3A_438 : memref<1x128xi32, #tpu.memory_space<hbm>>) target(%dma_start3A_436 : memref<1x128xi32, #tpu.memory_space<vmem>>) target_semaphore(%dma_start3A_432 : memref<!tpu.dma_semaphore, #tpu.memory_space<semaphore_mem>>)
      } else {
      }
      %dma_wait3A_339 = arith.constant 1 : i32
      %dma_wait3A_340 = arith.constant 1 : i32
      %dma_wait3A_341 = arith.constant 0 : i32
      %dma_wait3A_342 = arith.constant 1 : i32
      %dma_wait3A_343 = arith.constant 0 : i32
      %dma_wait3A_344 = arith.constant 0 : i32
      %dma_wait3A_345 = tpu.memref_slice %arg10[%dma_wait3A_339, %dma_wait3A_343, %dma_wait3A_344] : memref<3x128x128xf32, #tpu.memory_space<vmem>> -> memref<1x128x128xf32, #tpu.memory_space<vmem>>
      %dma_wait3A_346 = tpu.memref_squeeze %dma_wait3A_345 : memref<1x128x128xf32, #tpu.memory_space<vmem>> -> memref<128x128xf32, #tpu.memory_space<vmem>>
      %dma_wait3A_347 = arith.constant 0 : i32
      %dma_wait3A_348 = tpu.memref_slice %arg9[%dma_wait3A_340, %dma_wait3A_341, %dma_wait3A_347] : memref<3x1x128xi32, #tpu.memory_space<vmem>> -> memref<1x1x128xi32, #tpu.memory_space<vmem>>
      %dma_wait3A_349 = tpu.memref_squeeze %dma_wait3A_348 : memref<1x1x128xi32, #tpu.memory_space<vmem>> -> memref<128xi32, #tpu.memory_space<vmem>>
      %dma_wait3A_350 = arith.constant 0 : i32
      %dma_wait3A_351 = arith.constant 0 : i32
      %dma_wait3A_352 = tpu.memref_slice %arg12[%dma_wait3A_350, %dma_wait3A_351] : memref<10000x128xf32, #tpu.memory_space<vmem_shared>> -> memref<10000x128xf32, #tpu.memory_space<vmem_shared>>
      %dma_wait3A_353 = tpu.memref_slice %arg16[%dma_wait3A_342] : memref<3x!tpu.dma_semaphore, #tpu.memory_space<semaphore_mem>> -> memref<1x!tpu.dma_semaphore, #tpu.memory_space<semaphore_mem>>
      %dma_wait3A_354 = tpu.memref_squeeze %dma_wait3A_353 : memref<1x!tpu.dma_semaphore, #tpu.memory_space<semaphore_mem>> -> memref<!tpu.dma_semaphore, #tpu.memory_space<semaphore_mem>>
      tpu.wait_indirect_dma semaphore(%dma_wait3A_354 : memref<!tpu.dma_semaphore, #tpu.memory_space<semaphore_mem>>) src(%dma_wait3A_346 : memref<128x128xf32, #tpu.memory_space<vmem>>) dst(%dma_wait3A_352 : memref<10000x128xf32, #tpu.memory_space<vmem_shared>>)
      %dma_wait3A_355 = arith.constant 1 : i32
      %dma_wait3A_356 = arith.constant 0 : i32
      %dma_wait3A_357 = arith.constant 0 : i32
      %dma_wait3A_358 = tpu.memref_slice %arg9[%dma_wait3A_355, %dma_wait3A_356, %dma_wait3A_357] : memref<3x1x128xi32, #tpu.memory_space<vmem>> -> memref<1x1x128xi32, #tpu.memory_space<vmem>>
      %dma_wait3A_359 = tpu.memref_squeeze %dma_wait3A_358 : memref<1x1x128xi32, #tpu.memory_space<vmem>> -> memref<128xi32, #tpu.memory_space<vmem>>
      %dma_wait3A_360 = arith.constant 0 : i32
      %dma_wait3A_361 = tpu.memref_slice %arg13[%dma_wait3A_360] : memref<10240xf32, #tpu.memory_space<vmem_shared>> -> memref<10240xf32, #tpu.memory_space<vmem_shared>>
      tpu.wait_indirect_dma semaphore(%arg17 : memref<!tpu.dma_semaphore, #tpu.memory_space<semaphore_mem>>) src(%arg11 : memref<128xf32, #tpu.memory_space<vmem>>) dst(%dma_wait3A_361 : memref<10240xf32, #tpu.memory_space<vmem_shared>>)
      %add3A_362 = arith.constant 3 : i32
      %add3A_363 = arith.addi %mul3A_143, %add3A_362 : i32
      %add3A_364 = arith.constant 1 : i32
      %add3A_365 = arith.addi %add3A_363, %add3A_364 : i32
      %lt3A_366 = arith.constant 78 : i32
      %lt3A_367 = arith.cmpi slt, %add3A_365, %lt3A_366 : i32
      %convert_element_type3A_368 = arith.extui %lt3A_367 : i1 to i32
      %cond3A_369 = arith.constant 0 : i32
      %cond3A_370 = arith.cmpi ne, %convert_element_type3A_368, %cond3A_369 : i32
      scf.if %cond3A_370 {
        %mul3A_403 = arith.constant 128 : i32
        %mul3A_404 = arith.muli %add3A_365, %mul3A_403 : i32
        %add3A_405 = arith.addi %mul3A_8, %mul3A_404 : i32
        %dma_start3A_406 = arith.constant 1 : i32
        %dma_start3A_407 = arith.constant 1 : i32
        %dma_start3A_408 = arith.constant 0 : i32
        %dma_start3A_409 = arith.constant 0 : i32
        %dma_start3A_410 = tpu.memref_slice %arg10[%dma_start3A_406, %dma_start3A_408, %dma_start3A_409] : memref<3x128x128xf32, #tpu.memory_space<vmem>> -> memref<1x128x128xf32, #tpu.memory_space<vmem>>
        %dma_start3A_411 = tpu.memref_squeeze %dma_start3A_410 : memref<1x128x128xf32, #tpu.memory_space<vmem>> -> memref<128x128xf32, #tpu.memory_space<vmem>>
        %dma_start3A_412 = arith.constant 0 : i32
        %dma_start3A_413 = tpu.memref_slice %arg2[%add3A_405, %dma_start3A_412] : memref<320000x128xf32, #tpu.memory_space<hbm>> -> memref<128x128xf32, #tpu.memory_space<hbm>>
        %dma_start3A_414 = tpu.memref_slice %arg14[%dma_start3A_407] : memref<3x!tpu.dma_semaphore, #tpu.memory_space<semaphore_mem>> -> memref<1x!tpu.dma_semaphore, #tpu.memory_space<semaphore_mem>>
        %dma_start3A_415 = tpu.memref_squeeze %dma_start3A_414 : memref<1x!tpu.dma_semaphore, #tpu.memory_space<semaphore_mem>> -> memref<!tpu.dma_semaphore, #tpu.memory_space<semaphore_mem>>
        %dma_start3A_416 = arith.constant 0 : i32
        %dma_start3A_417 = arith.constant 0 : i32
        %dma_start3A_418 = tpu.memref_slice %arg10[%dma_start3A_406, %dma_start3A_416, %dma_start3A_417] : memref<3x128x128xf32, #tpu.memory_space<vmem>> -> memref<1x128x128xf32, #tpu.memory_space<vmem>>
        %dma_start3A_419 = tpu.memref_squeeze %dma_start3A_418 : memref<1x128x128xf32, #tpu.memory_space<vmem>> -> memref<128x128xf32, #tpu.memory_space<vmem>>
        %dma_start3A_420 = arith.constant 0 : i32
        %dma_start3A_421 = tpu.memref_slice %arg2[%add3A_405, %dma_start3A_420] : memref<320000x128xf32, #tpu.memory_space<hbm>> -> memref<128x128xf32, #tpu.memory_space<hbm>>
        tpu.enqueue_dma source(%dma_start3A_421 : memref<128x128xf32, #tpu.memory_space<hbm>>) target(%dma_start3A_419 : memref<128x128xf32, #tpu.memory_space<vmem>>) target_semaphore(%dma_start3A_415 : memref<!tpu.dma_semaphore, #tpu.memory_space<semaphore_mem>>)
        %add3A_422 = arith.addi %mul3A_3, %add3A_365 : i32
        %dma_start3A_423 = arith.constant 1 : i32
        %dma_start3A_424 = arith.constant 1 : i32
        %dma_start3A_425 = arith.constant 0 : i32
        %dma_start3A_426 = arith.constant 0 : i32
        %dma_start3A_427 = tpu.memref_slice %arg9[%dma_start3A_423, %dma_start3A_425, %dma_start3A_426] : memref<3x1x128xi32, #tpu.memory_space<vmem>> -> memref<1x1x128xi32, #tpu.memory_space<vmem>>
        %dma_start3A_428 = tpu.memref_squeeze %dma_start3A_427 : memref<1x1x128xi32, #tpu.memory_space<vmem>> -> memref<1x128xi32, #tpu.memory_space<vmem>>
        %dma_start3A_429 = arith.constant 0 : i32
        %dma_start3A_430 = tpu.memref_slice %arg3[%add3A_422, %dma_start3A_429] : memref<2500x128xi32, #tpu.memory_space<hbm>> -> memref<1x128xi32, #tpu.memory_space<hbm>>
        %dma_start3A_431 = tpu.memref_slice %arg15[%dma_start3A_424] : memref<3x!tpu.dma_semaphore, #tpu.memory_space<semaphore_mem>> -> memref<1x!tpu.dma_semaphore, #tpu.memory_space<semaphore_mem>>
        %dma_start3A_432 = tpu.memref_squeeze %dma_start3A_431 : memref<1x!tpu.dma_semaphore, #tpu.memory_space<semaphore_mem>> -> memref<!tpu.dma_semaphore, #tpu.memory_space<semaphore_mem>>
        %dma_start3A_433 = arith.constant 0 : i32
        %dma_start3A_434 = arith.constant 0 : i32
        %dma_start3A_435 = tpu.memref_slice %arg9[%dma_start3A_423, %dma_start3A_433, %dma_start3A_434] : memref<3x1x128xi32, #tpu.memory_space<vmem>> -> memref<1x1x128xi32, #tpu.memory_space<vmem>>
        %dma_start3A_436 = tpu.memref_squeeze %dma_start3A_435 : memref<1x1x128xi32, #tpu.memory_space<vmem>> -> memref<1x128xi32, #tpu.memory_space<vmem>>
        %dma_start3A_437 = arith.constant 0 : i32
        %dma_start3A_438 = tpu.memref_slice %arg3[%add3A_422, %dma_start3A_437] : memref<2500x128xi32, #tpu.memory_space<hbm>> -> memref<1x128xi32, #tpu.memory_space<hbm>>
        tpu.enqueue_dma source(%dma_start3A_438 : memref<1x128xi32, #tpu.memory_space<hbm>>) target(%dma_start3A_436 : memref<1x128xi32, #tpu.memory_space<vmem>>) target_semaphore(%dma_start3A_432 : memref<!tpu.dma_semaphore, #tpu.memory_space<semaphore_mem>>)
      } else {
      }
      %dma_wait3A_371 = arith.constant 2 : i32
      %dma_wait3A_372 = arith.constant 2 : i32
      %dma_wait3A_373 = arith.constant 0 : i32
      %dma_wait3A_374 = arith.constant 2 : i32
      %dma_wait3A_375 = arith.constant 0 : i32
      %dma_wait3A_376 = arith.constant 0 : i32
      %dma_wait3A_377 = tpu.memref_slice %arg10[%dma_wait3A_371, %dma_wait3A_375, %dma_wait3A_376] : memref<3x128x128xf32, #tpu.memory_space<vmem>> -> memref<1x128x128xf32, #tpu.memory_space<vmem>>
      %dma_wait3A_378 = tpu.memref_squeeze %dma_wait3A_377 : memref<1x128x128xf32, #tpu.memory_space<vmem>> -> memref<128x128xf32, #tpu.memory_space<vmem>>
      %dma_wait3A_379 = arith.constant 0 : i32
      %dma_wait3A_380 = tpu.memref_slice %arg9[%dma_wait3A_372, %dma_wait3A_373, %dma_wait3A_379] : memref<3x1x128xi32, #tpu.memory_space<vmem>> -> memref<1x1x128xi32, #tpu.memory_space<vmem>>
      %dma_wait3A_381 = tpu.memref_squeeze %dma_wait3A_380 : memref<1x1x128xi32, #tpu.memory_space<vmem>> -> memref<128xi32, #tpu.memory_space<vmem>>
      %dma_wait3A_382 = arith.constant 0 : i32
      %dma_wait3A_383 = arith.constant 0 : i32
      %dma_wait3A_384 = tpu.memref_slice %arg12[%dma_wait3A_382, %dma_wait3A_383] : memref<10000x128xf32, #tpu.memory_space<vmem_shared>> -> memref<10000x128xf32, #tpu.memory_space<vmem_shared>>
      %dma_wait3A_385 = tpu.memref_slice %arg16[%dma_wait3A_374] : memref<3x!tpu.dma_semaphore, #tpu.memory_space<semaphore_mem>> -> memref<1x!tpu.dma_semaphore, #tpu.memory_space<semaphore_mem>>
      %dma_wait3A_386 = tpu.memref_squeeze %dma_wait3A_385 : memref<1x!tpu.dma_semaphore, #tpu.memory_space<semaphore_mem>> -> memref<!tpu.dma_semaphore, #tpu.memory_space<semaphore_mem>>
      tpu.wait_indirect_dma semaphore(%dma_wait3A_386 : memref<!tpu.dma_semaphore, #tpu.memory_space<semaphore_mem>>) src(%dma_wait3A_378 : memref<128x128xf32, #tpu.memory_space<vmem>>) dst(%dma_wait3A_384 : memref<10000x128xf32, #tpu.memory_space<vmem_shared>>)
      %dma_wait3A_387 = arith.constant 2 : i32
      %dma_wait3A_388 = arith.constant 0 : i32
      %dma_wait3A_389 = arith.constant 0 : i32
      %dma_wait3A_390 = tpu.memref_slice %arg9[%dma_wait3A_387, %dma_wait3A_388, %dma_wait3A_389] : memref<3x1x128xi32, #tpu.memory_space<vmem>> -> memref<1x1x128xi32, #tpu.memory_space<vmem>>
      %dma_wait3A_391 = tpu.memref_squeeze %dma_wait3A_390 : memref<1x1x128xi32, #tpu.memory_space<vmem>> -> memref<128xi32, #tpu.memory_space<vmem>>
      %dma_wait3A_392 = arith.constant 0 : i32
      %dma_wait3A_393 = tpu.memref_slice %arg13[%dma_wait3A_392] : memref<10240xf32, #tpu.memory_space<vmem_shared>> -> memref<10240xf32, #tpu.memory_space<vmem_shared>>
      tpu.wait_indirect_dma semaphore(%arg17 : memref<!tpu.dma_semaphore, #tpu.memory_space<semaphore_mem>>) src(%arg11 : memref<128xf32, #tpu.memory_space<vmem>>) dst(%dma_wait3A_393 : memref<10240xf32, #tpu.memory_space<vmem_shared>>)
      %add3A_394 = arith.constant 3 : i32
      %add3A_395 = arith.addi %mul3A_143, %add3A_394 : i32
      %add3A_396 = arith.constant 2 : i32
      %add3A_397 = arith.addi %add3A_395, %add3A_396 : i32
      %lt3A_398 = arith.constant 78 : i32
      %lt3A_399 = arith.cmpi slt, %add3A_397, %lt3A_398 : i32
      %convert_element_type3A_400 = arith.extui %lt3A_399 : i1 to i32
      %cond3A_401 = arith.constant 0 : i32
      %cond3A_402 = arith.cmpi ne, %convert_element_type3A_400, %cond3A_401 : i32
      scf.if %cond3A_402 {
        %mul3A_403 = arith.constant 128 : i32
        %mul3A_404 = arith.muli %add3A_397, %mul3A_403 : i32
        %add3A_405 = arith.addi %mul3A_8, %mul3A_404 : i32
        %dma_start3A_406 = arith.constant 2 : i32
        %dma_start3A_407 = arith.constant 2 : i32
        %dma_start3A_408 = arith.constant 0 : i32
        %dma_start3A_409 = arith.constant 0 : i32
        %dma_start3A_410 = tpu.memref_slice %arg10[%dma_start3A_406, %dma_start3A_408, %dma_start3A_409] : memref<3x128x128xf32, #tpu.memory_space<vmem>> -> memref<1x128x128xf32, #tpu.memory_space<vmem>>
        %dma_start3A_411 = tpu.memref_squeeze %dma_start3A_410 : memref<1x128x128xf32, #tpu.memory_space<vmem>> -> memref<128x128xf32, #tpu.memory_space<vmem>>
        %dma_start3A_412 = arith.constant 0 : i32
        %dma_start3A_413 = tpu.memref_slice %arg2[%add3A_405, %dma_start3A_412] : memref<320000x128xf32, #tpu.memory_space<hbm>> -> memref<128x128xf32, #tpu.memory_space<hbm>>
        %dma_start3A_414 = tpu.memref_slice %arg14[%dma_start3A_407] : memref<3x!tpu.dma_semaphore, #tpu.memory_space<semaphore_mem>> -> memref<1x!tpu.dma_semaphore, #tpu.memory_space<semaphore_mem>>
        %dma_start3A_415 = tpu.memref_squeeze %dma_start3A_414 : memref<1x!tpu.dma_semaphore, #tpu.memory_space<semaphore_mem>> -> memref<!tpu.dma_semaphore, #tpu.memory_space<semaphore_mem>>
        %dma_start3A_416 = arith.constant 0 : i32
        %dma_start3A_417 = arith.constant 0 : i32
        %dma_start3A_418 = tpu.memref_slice %arg10[%dma_start3A_406, %dma_start3A_416, %dma_start3A_417] : memref<3x128x128xf32, #tpu.memory_space<vmem>> -> memref<1x128x128xf32, #tpu.memory_space<vmem>>
        %dma_start3A_419 = tpu.memref_squeeze %dma_start3A_418 : memref<1x128x128xf32, #tpu.memory_space<vmem>> -> memref<128x128xf32, #tpu.memory_space<vmem>>
        %dma_start3A_420 = arith.constant 0 : i32
        %dma_start3A_421 = tpu.memref_slice %arg2[%add3A_405, %dma_start3A_420] : memref<320000x128xf32, #tpu.memory_space<hbm>> -> memref<128x128xf32, #tpu.memory_space<hbm>>
        tpu.enqueue_dma source(%dma_start3A_421 : memref<128x128xf32, #tpu.memory_space<hbm>>) target(%dma_start3A_419 : memref<128x128xf32, #tpu.memory_space<vmem>>) target_semaphore(%dma_start3A_415 : memref<!tpu.dma_semaphore, #tpu.memory_space<semaphore_mem>>)
        %add3A_422 = arith.addi %mul3A_3, %add3A_397 : i32
        %dma_start3A_423 = arith.constant 2 : i32
        %dma_start3A_424 = arith.constant 2 : i32
        %dma_start3A_425 = arith.constant 0 : i32
        %dma_start3A_426 = arith.constant 0 : i32
        %dma_start3A_427 = tpu.memref_slice %arg9[%dma_start3A_423, %dma_start3A_425, %dma_start3A_426] : memref<3x1x128xi32, #tpu.memory_space<vmem>> -> memref<1x1x128xi32, #tpu.memory_space<vmem>>
        %dma_start3A_428 = tpu.memref_squeeze %dma_start3A_427 : memref<1x1x128xi32, #tpu.memory_space<vmem>> -> memref<1x128xi32, #tpu.memory_space<vmem>>
        %dma_start3A_429 = arith.constant 0 : i32
        %dma_start3A_430 = tpu.memref_slice %arg3[%add3A_422, %dma_start3A_429] : memref<2500x128xi32, #tpu.memory_space<hbm>> -> memref<1x128xi32, #tpu.memory_space<hbm>>
        %dma_start3A_431 = tpu.memref_slice %arg15[%dma_start3A_424] : memref<3x!tpu.dma_semaphore, #tpu.memory_space<semaphore_mem>> -> memref<1x!tpu.dma_semaphore, #tpu.memory_space<semaphore_mem>>
        %dma_start3A_432 = tpu.memref_squeeze %dma_start3A_431 : memref<1x!tpu.dma_semaphore, #tpu.memory_space<semaphore_mem>> -> memref<!tpu.dma_semaphore, #tpu.memory_space<semaphore_mem>>
        %dma_start3A_433 = arith.constant 0 : i32
        %dma_start3A_434 = arith.constant 0 : i32
        %dma_start3A_435 = tpu.memref_slice %arg9[%dma_start3A_423, %dma_start3A_433, %dma_start3A_434] : memref<3x1x128xi32, #tpu.memory_space<vmem>> -> memref<1x1x128xi32, #tpu.memory_space<vmem>>
        %dma_start3A_436 = tpu.memref_squeeze %dma_start3A_435 : memref<1x1x128xi32, #tpu.memory_space<vmem>> -> memref<1x128xi32, #tpu.memory_space<vmem>>
        %dma_start3A_437 = arith.constant 0 : i32
        %dma_start3A_438 = tpu.memref_slice %arg3[%add3A_422, %dma_start3A_437] : memref<2500x128xi32, #tpu.memory_space<hbm>> -> memref<1x128xi32, #tpu.memory_space<hbm>>
        tpu.enqueue_dma source(%dma_start3A_438 : memref<1x128xi32, #tpu.memory_space<hbm>>) target(%dma_start3A_436 : memref<1x128xi32, #tpu.memory_space<vmem>>) target_semaphore(%dma_start3A_432 : memref<!tpu.dma_semaphore, #tpu.memory_space<semaphore_mem>>)
      } else {
      }
    }
    %scan3A_128 = arith.constant 26 : i32
    %convert_element_type3A_129 = arith.extui %ge3A_1 : i1 to i32
    %cond3A_130 = arith.constant 0 : i32
    %cond3A_131 = arith.cmpi ne, %convert_element_type3A_129, %cond3A_130 : i32
    scf.if %cond3A_131 {
      %run_scoped3A = arith.constant 0 : i32
      "tpu.region"() ({
        %run_scoped3A_149 = tpu.sem_alloc : memref<!tpu.dma_semaphore, #tpu.memory_space<semaphore_mem>>
        %dma_start3A_150 = arith.constant 0 : i32
        %dma_start3A_151 = arith.constant 0 : i32
        %dma_start3A_152 = tpu.memref_slice %arg9[%run_scoped3A, %dma_start3A_150, %dma_start3A_151] : memref<3x1x128xi32, #tpu.memory_space<vmem>> -> memref<1x1x128xi32, #tpu.memory_space<vmem>>
        %dma_start3A_153 = tpu.memref_squeeze %dma_start3A_152 : memref<1x1x128xi32, #tpu.memory_space<vmem>> -> memref<1x128xi32, #tpu.memory_space<vmem>>
        %dma_start3A_154 = arith.constant 0 : i32
        %dma_start3A_155 = tpu.memref_slice %arg3[%add3A_6, %dma_start3A_154] : memref<2500x128xi32, #tpu.memory_space<hbm>> -> memref<1x128xi32, #tpu.memory_space<hbm>>
        %dma_start3A_156 = arith.constant 0 : i32
        %dma_start3A_157 = arith.constant 0 : i32
        %dma_start3A_158 = tpu.memref_slice %arg9[%run_scoped3A, %dma_start3A_156, %dma_start3A_157] : memref<3x1x128xi32, #tpu.memory_space<vmem>> -> memref<1x1x128xi32, #tpu.memory_space<vmem>>
        %dma_start3A_159 = tpu.memref_squeeze %dma_start3A_158 : memref<1x1x128xi32, #tpu.memory_space<vmem>> -> memref<1x128xi32, #tpu.memory_space<vmem>>
        %dma_start3A_160 = arith.constant 0 : i32
        %dma_start3A_161 = tpu.memref_slice %arg3[%add3A_6, %dma_start3A_160] : memref<2500x128xi32, #tpu.memory_space<hbm>> -> memref<1x128xi32, #tpu.memory_space<hbm>>
        tpu.enqueue_dma source(%dma_start3A_161 : memref<1x128xi32, #tpu.memory_space<hbm>>) target(%dma_start3A_159 : memref<1x128xi32, #tpu.memory_space<vmem>>) target_semaphore(%run_scoped3A_149 : memref<!tpu.dma_semaphore, #tpu.memory_space<semaphore_mem>>)
        %dma_wait3A = arith.constant 0 : i32
        %dma_wait3A_162 = arith.constant 0 : i32
        %dma_wait3A_163 = tpu.memref_slice %arg9[%run_scoped3A, %dma_wait3A, %dma_wait3A_162] : memref<3x1x128xi32, #tpu.memory_space<vmem>> -> memref<1x1x128xi32, #tpu.memory_space<vmem>>
        %dma_wait3A_164 = tpu.memref_squeeze %dma_wait3A_163 : memref<1x1x128xi32, #tpu.memory_space<vmem>> -> memref<1x128xi32, #tpu.memory_space<vmem>>
        %dma_wait3A_165 = arith.constant 0 : i32
        %dma_wait3A_166 = tpu.memref_slice %arg3[%add3A_6, %dma_wait3A_165] : memref<2500x128xi32, #tpu.memory_space<hbm>> -> memref<1x128xi32, #tpu.memory_space<hbm>>
        %dma_wait3A_167 = arith.constant 0 : i32
        %dma_wait3A_168 = arith.constant 0 : i32
        %dma_wait3A_169 = tpu.memref_slice %arg9[%run_scoped3A, %dma_wait3A_167, %dma_wait3A_168] : memref<3x1x128xi32, #tpu.memory_space<vmem>> -> memref<1x1x128xi32, #tpu.memory_space<vmem>>
        %dma_wait3A_170 = tpu.memref_squeeze %dma_wait3A_169 : memref<1x1x128xi32, #tpu.memory_space<vmem>> -> memref<1x128xi32, #tpu.memory_space<vmem>>
        %dma_wait3A_171 = arith.constant 0 : i32
        %dma_wait3A_172 = tpu.memref_slice %arg3[%add3A_6, %dma_wait3A_171] : memref<2500x128xi32, #tpu.memory_space<hbm>> -> memref<1x128xi32, #tpu.memory_space<hbm>>
        tpu.wait_dma2 semaphore(%run_scoped3A_149 : memref<!tpu.dma_semaphore, #tpu.memory_space<semaphore_mem>>) src(%dma_wait3A_172 : memref<1x128xi32, #tpu.memory_space<hbm>>) dst(%dma_wait3A_170 : memref<1x128xi32, #tpu.memory_space<vmem>>)
        tpu.yield
      }) : () -> ()
      %mul3A_141 = arith.constant 128 : i32
      %mul3A_142 = arith.muli %add3A_6, %mul3A_141 : i32
      %run_scoped3A_143 = arith.constant 0 : i32
      "tpu.region"() ({
        %run_scoped3A_149 = tpu.sem_alloc : memref<!tpu.dma_semaphore, #tpu.memory_space<semaphore_mem>>
        %dma_start3A_150 = arith.constant 0 : i32
        %dma_start3A_151 = arith.constant 0 : i32
        %dma_start3A_152 = tpu.memref_slice %arg10[%run_scoped3A_143, %dma_start3A_150, %dma_start3A_151] : memref<3x128x128xf32, #tpu.memory_space<vmem>> -> memref<1x128x128xf32, #tpu.memory_space<vmem>>
        %dma_start3A_153 = tpu.memref_squeeze %dma_start3A_152 : memref<1x128x128xf32, #tpu.memory_space<vmem>> -> memref<128x128xf32, #tpu.memory_space<vmem>>
        %dma_start3A_154 = arith.constant 0 : i32
        %dma_start3A_155 = tpu.memref_slice %arg2[%mul3A_142, %dma_start3A_154] : memref<320000x128xf32, #tpu.memory_space<hbm>> -> memref<128x128xf32, #tpu.memory_space<hbm>>
        %dma_start3A_156 = arith.constant 0 : i32
        %dma_start3A_157 = arith.constant 0 : i32
        %dma_start3A_158 = tpu.memref_slice %arg10[%run_scoped3A_143, %dma_start3A_156, %dma_start3A_157] : memref<3x128x128xf32, #tpu.memory_space<vmem>> -> memref<1x128x128xf32, #tpu.memory_space<vmem>>
        %dma_start3A_159 = tpu.memref_squeeze %dma_start3A_158 : memref<1x128x128xf32, #tpu.memory_space<vmem>> -> memref<128x128xf32, #tpu.memory_space<vmem>>
        %dma_start3A_160 = arith.constant 0 : i32
        %dma_start3A_161 = tpu.memref_slice %arg2[%mul3A_142, %dma_start3A_160] : memref<320000x128xf32, #tpu.memory_space<hbm>> -> memref<128x128xf32, #tpu.memory_space<hbm>>
        tpu.enqueue_dma source(%dma_start3A_161 : memref<128x128xf32, #tpu.memory_space<hbm>>) target(%dma_start3A_159 : memref<128x128xf32, #tpu.memory_space<vmem>>) target_semaphore(%run_scoped3A_149 : memref<!tpu.dma_semaphore, #tpu.memory_space<semaphore_mem>>)
        %dma_wait3A = arith.constant 0 : i32
        %dma_wait3A_162 = arith.constant 0 : i32
        %dma_wait3A_163 = tpu.memref_slice %arg10[%run_scoped3A_143, %dma_wait3A, %dma_wait3A_162] : memref<3x128x128xf32, #tpu.memory_space<vmem>> -> memref<1x128x128xf32, #tpu.memory_space<vmem>>
        %dma_wait3A_164 = tpu.memref_squeeze %dma_wait3A_163 : memref<1x128x128xf32, #tpu.memory_space<vmem>> -> memref<128x128xf32, #tpu.memory_space<vmem>>
        %dma_wait3A_165 = arith.constant 0 : i32
        %dma_wait3A_166 = tpu.memref_slice %arg2[%mul3A_142, %dma_wait3A_165] : memref<320000x128xf32, #tpu.memory_space<hbm>> -> memref<128x128xf32, #tpu.memory_space<hbm>>
        %dma_wait3A_167 = arith.constant 0 : i32
        %dma_wait3A_168 = arith.constant 0 : i32
        %dma_wait3A_169 = tpu.memref_slice %arg10[%run_scoped3A_143, %dma_wait3A_167, %dma_wait3A_168] : memref<3x128x128xf32, #tpu.memory_space<vmem>> -> memref<1x128x128xf32, #tpu.memory_space<vmem>>
        %dma_wait3A_170 = tpu.memref_squeeze %dma_wait3A_169 : memref<1x128x128xf32, #tpu.memory_space<vmem>> -> memref<128x128xf32, #tpu.memory_space<vmem>>
        %dma_wait3A_171 = arith.constant 0 : i32
        %dma_wait3A_172 = tpu.memref_slice %arg2[%mul3A_142, %dma_wait3A_171] : memref<320000x128xf32, #tpu.memory_space<hbm>> -> memref<128x128xf32, #tpu.memory_space<hbm>>
        tpu.wait_dma2 semaphore(%run_scoped3A_149 : memref<!tpu.dma_semaphore, #tpu.memory_space<semaphore_mem>>) src(%dma_wait3A_172 : memref<128x128xf32, #tpu.memory_space<hbm>>) dst(%dma_wait3A_170 : memref<128x128xf32, #tpu.memory_space<vmem>>)
        tpu.yield
      }) : () -> ()
      %run_scoped3A_144 = arith.constant 0 : i32
      %run_scoped3A_145 = arith.constant 0 : i32
      %run_scoped3A_146 = arith.constant 0 : i32
      "tpu.region"() ({
        %run_scoped3A_149 = tpu.sem_alloc : memref<!tpu.dma_semaphore, #tpu.memory_space<semaphore_mem>>
        %dma_start3A_150 = arith.constant 0 : i32
        %dma_start3A_151 = arith.constant 0 : i32
        %dma_start3A_152 = tpu.memref_slice %arg10[%run_scoped3A_144, %dma_start3A_150, %dma_start3A_151] : memref<3x128x128xf32, #tpu.memory_space<vmem>> -> memref<1x128x128xf32, #tpu.memory_space<vmem>>
        %dma_start3A_153 = tpu.memref_squeeze %dma_start3A_152 : memref<1x128x128xf32, #tpu.memory_space<vmem>> -> memref<128x128xf32, #tpu.memory_space<vmem>>
        %dma_start3A_154 = arith.constant 0 : i32
        %dma_start3A_155 = tpu.memref_slice %arg9[%run_scoped3A_145, %run_scoped3A_146, %dma_start3A_154] : memref<3x1x128xi32, #tpu.memory_space<vmem>> -> memref<1x1x128xi32, #tpu.memory_space<vmem>>
        %dma_start3A_156 = tpu.memref_squeeze %dma_start3A_155 : memref<1x1x128xi32, #tpu.memory_space<vmem>> -> memref<128xi32, #tpu.memory_space<vmem>>
        %dma_start3A_157 = arith.constant 0 : i32
        %dma_start3A_158 = arith.constant 0 : i32
        %dma_start3A_159 = tpu.memref_slice %arg12[%dma_start3A_157, %dma_start3A_158] : memref<10000x128xf32, #tpu.memory_space<vmem_shared>> -> memref<10000x128xf32, #tpu.memory_space<vmem_shared>>
        tpu.enqueue_indirect_dma source(%dma_start3A_153 : memref<128x128xf32, #tpu.memory_space<vmem>>) target(%dma_start3A_159 : memref<10000x128xf32, #tpu.memory_space<vmem_shared>>) offsets(%dma_start3A_156 : memref<128xi32, #tpu.memory_space<vmem>>) semaphore(%run_scoped3A_149 : memref<!tpu.dma_semaphore, #tpu.memory_space<semaphore_mem>>) {add = true}
        %dma_wait3A = arith.constant 0 : i32
        %dma_wait3A_160 = arith.constant 0 : i32
        %dma_wait3A_161 = tpu.memref_slice %arg10[%run_scoped3A_144, %dma_wait3A, %dma_wait3A_160] : memref<3x128x128xf32, #tpu.memory_space<vmem>> -> memref<1x128x128xf32, #tpu.memory_space<vmem>>
        %dma_wait3A_162 = tpu.memref_squeeze %dma_wait3A_161 : memref<1x128x128xf32, #tpu.memory_space<vmem>> -> memref<128x128xf32, #tpu.memory_space<vmem>>
        %dma_wait3A_163 = arith.constant 0 : i32
        %dma_wait3A_164 = tpu.memref_slice %arg9[%run_scoped3A_145, %run_scoped3A_146, %dma_wait3A_163] : memref<3x1x128xi32, #tpu.memory_space<vmem>> -> memref<1x1x128xi32, #tpu.memory_space<vmem>>
        %dma_wait3A_165 = tpu.memref_squeeze %dma_wait3A_164 : memref<1x1x128xi32, #tpu.memory_space<vmem>> -> memref<128xi32, #tpu.memory_space<vmem>>
        %dma_wait3A_166 = arith.constant 0 : i32
        %dma_wait3A_167 = arith.constant 0 : i32
        %dma_wait3A_168 = tpu.memref_slice %arg12[%dma_wait3A_166, %dma_wait3A_167] : memref<10000x128xf32, #tpu.memory_space<vmem_shared>> -> memref<10000x128xf32, #tpu.memory_space<vmem_shared>>
        tpu.wait_indirect_dma semaphore(%run_scoped3A_149 : memref<!tpu.dma_semaphore, #tpu.memory_space<semaphore_mem>>) src(%dma_wait3A_162 : memref<128x128xf32, #tpu.memory_space<vmem>>) dst(%dma_wait3A_168 : memref<10000x128xf32, #tpu.memory_space<vmem_shared>>)
        tpu.yield
      }) : () -> ()
      %run_scoped3A_147 = arith.constant 0 : i32
      %run_scoped3A_148 = arith.constant 0 : i32
      "tpu.region"() ({
        %run_scoped3A_149 = tpu.sem_alloc : memref<!tpu.dma_semaphore, #tpu.memory_space<semaphore_mem>>
        %dma_start3A_150 = arith.constant 0 : i32
        %dma_start3A_151 = tpu.memref_slice %arg9[%run_scoped3A_147, %run_scoped3A_148, %dma_start3A_150] : memref<3x1x128xi32, #tpu.memory_space<vmem>> -> memref<1x1x128xi32, #tpu.memory_space<vmem>>
        %dma_start3A_152 = tpu.memref_squeeze %dma_start3A_151 : memref<1x1x128xi32, #tpu.memory_space<vmem>> -> memref<128xi32, #tpu.memory_space<vmem>>
        %dma_start3A_153 = arith.constant 0 : i32
        %dma_start3A_154 = tpu.memref_slice %arg13[%dma_start3A_153] : memref<10240xf32, #tpu.memory_space<vmem_shared>> -> memref<10240xf32, #tpu.memory_space<vmem_shared>>
        tpu.enqueue_indirect_dma source(%arg11 : memref<128xf32, #tpu.memory_space<vmem>>) target(%dma_start3A_154 : memref<10240xf32, #tpu.memory_space<vmem_shared>>) offsets(%dma_start3A_152 : memref<128xi32, #tpu.memory_space<vmem>>) semaphore(%run_scoped3A_149 : memref<!tpu.dma_semaphore, #tpu.memory_space<semaphore_mem>>) {add = true}
        %dma_wait3A = arith.constant 0 : i32
        %dma_wait3A_155 = tpu.memref_slice %arg9[%run_scoped3A_147, %run_scoped3A_148, %dma_wait3A] : memref<3x1x128xi32, #tpu.memory_space<vmem>> -> memref<1x1x128xi32, #tpu.memory_space<vmem>>
        %dma_wait3A_156 = tpu.memref_squeeze %dma_wait3A_155 : memref<1x1x128xi32, #tpu.memory_space<vmem>> -> memref<128xi32, #tpu.memory_space<vmem>>
        %dma_wait3A_157 = arith.constant 0 : i32
        %dma_wait3A_158 = tpu.memref_slice %arg13[%dma_wait3A_157] : memref<10240xf32, #tpu.memory_space<vmem_shared>> -> memref<10240xf32, #tpu.memory_space<vmem_shared>>
        tpu.wait_indirect_dma semaphore(%run_scoped3A_149 : memref<!tpu.dma_semaphore, #tpu.memory_space<semaphore_mem>>) src(%arg11 : memref<128xf32, #tpu.memory_space<vmem>>) dst(%dma_wait3A_158 : memref<10240xf32, #tpu.memory_space<vmem_shared>>)
        tpu.yield
      }) : () -> ()
    } else {
    }
    %barrier3A_132 = arith.constant 0 : index
    tpu.barrier barrier_id(%barrier3A_132)
    %mul3A_133 = arith.constant 625 : i32
    %mul3A_134 = arith.muli %arg1, %mul3A_133 : i32
    %mul3A_135 = arith.constant 625 : i32
    %mul3A_136 = arith.muli %arg1, %mul3A_135 : i32
    "tpu.region"() ({
      %run_scoped3A = tpu.sem_alloc : memref<!tpu.dma_semaphore, #tpu.memory_space<semaphore_mem>>
      %dma_start3A_141 = arith.constant 0 : i32
      %dma_start3A_142 = tpu.memref_slice %arg7[%arg0, %mul3A_136, %dma_start3A_141] : memref<2x10000x128xf32, #tpu.memory_space<hbm>> -> memref<1x625x128xf32, #tpu.memory_space<hbm>>
      %dma_start3A_143 = tpu.memref_squeeze %dma_start3A_142 : memref<1x625x128xf32, #tpu.memory_space<hbm>> -> memref<625x128xf32, #tpu.memory_space<hbm>>
      %dma_start3A_144 = arith.constant 0 : i32
      %dma_start3A_145 = tpu.memref_slice %arg12[%mul3A_134, %dma_start3A_144] : memref<10000x128xf32, #tpu.memory_space<vmem_shared>> -> memref<625x128xf32, #tpu.memory_space<vmem_shared>>
      tpu.enqueue_dma source(%dma_start3A_145 : memref<625x128xf32, #tpu.memory_space<vmem_shared>>) target(%dma_start3A_143 : memref<625x128xf32, #tpu.memory_space<hbm>>) target_semaphore(%run_scoped3A : memref<!tpu.dma_semaphore, #tpu.memory_space<semaphore_mem>>)
      %dma_wait3A = arith.constant 0 : i32
      %dma_wait3A_146 = tpu.memref_slice %arg7[%arg0, %mul3A_136, %dma_wait3A] : memref<2x10000x128xf32, #tpu.memory_space<hbm>> -> memref<1x625x128xf32, #tpu.memory_space<hbm>>
      %dma_wait3A_147 = tpu.memref_squeeze %dma_wait3A_146 : memref<1x625x128xf32, #tpu.memory_space<hbm>> -> memref<625x128xf32, #tpu.memory_space<hbm>>
      %dma_wait3A_148 = arith.constant 0 : i32
      %dma_wait3A_149 = tpu.memref_slice %arg12[%mul3A_134, %dma_wait3A_148] : memref<10000x128xf32, #tpu.memory_space<vmem_shared>> -> memref<625x128xf32, #tpu.memory_space<vmem_shared>>
      tpu.wait_dma2 semaphore(%run_scoped3A : memref<!tpu.dma_semaphore, #tpu.memory_space<semaphore_mem>>) src(%dma_wait3A_149 : memref<625x128xf32, #tpu.memory_space<vmem_shared>>) dst(%dma_wait3A_147 : memref<625x128xf32, #tpu.memory_space<hbm>>)
      tpu.yield
    }) : () -> ()
    %mul3A_137 = arith.constant 640 : i32
    %mul3A_138 = arith.muli %arg1, %mul3A_137 : i32
    %mul3A_139 = arith.constant 640 : i32
    %mul3A_140 = arith.muli %arg1, %mul3A_139 : i32
    "tpu.region"() ({
      %run_scoped3A = tpu.sem_alloc : memref<!tpu.dma_semaphore, #tpu.memory_space<semaphore_mem>>
      %dma_start3A_141 = tpu.memref_slice %arg8[%arg0, %mul3A_140] : memref<2x10240xf32, #tpu.memory_space<hbm>> -> memref<1x640xf32, #tpu.memory_space<hbm>>
      %dma_start3A_142 = tpu.memref_squeeze %dma_start3A_141 : memref<1x640xf32, #tpu.memory_space<hbm>> -> memref<640xf32, #tpu.memory_space<hbm>>
      %dma_start3A_143 = tpu.memref_slice %arg13[%mul3A_138] : memref<10240xf32, #tpu.memory_space<vmem_shared>> -> memref<640xf32, #tpu.memory_space<vmem_shared>>
      tpu.enqueue_dma source(%dma_start3A_143 : memref<640xf32, #tpu.memory_space<vmem_shared>>) target(%dma_start3A_142 : memref<640xf32, #tpu.memory_space<hbm>>) target_semaphore(%run_scoped3A : memref<!tpu.dma_semaphore, #tpu.memory_space<semaphore_mem>>)
      %dma_wait3A = tpu.memref_slice %arg8[%arg0, %mul3A_140] : memref<2x10240xf32, #tpu.memory_space<hbm>> -> memref<1x640xf32, #tpu.memory_space<hbm>>
      %dma_wait3A_144 = tpu.memref_squeeze %dma_wait3A : memref<1x640xf32, #tpu.memory_space<hbm>> -> memref<640xf32, #tpu.memory_space<hbm>>
      %dma_wait3A_145 = tpu.memref_slice %arg13[%mul3A_138] : memref<10240xf32, #tpu.memory_space<vmem_shared>> -> memref<640xf32, #tpu.memory_space<vmem_shared>>
      tpu.wait_dma2 semaphore(%run_scoped3A : memref<!tpu.dma_semaphore, #tpu.memory_space<semaphore_mem>>) src(%dma_wait3A_145 : memref<640xf32, #tpu.memory_space<vmem_shared>>) dst(%dma_wait3A_144 : memref<640xf32, #tpu.memory_space<hbm>>)
      tpu.yield
    }) : () -> ()
    return
  }
}

module attributes {stable_mosaic.version = 14 : i64} {
  func.func @body(%arg0: memref<2x10000x128xf32, #tpu.memory_space<vmem>>, %arg1: memref<2x80x128xf32, #tpu.memory_space<vmem>>, %arg2: memref<128x128xf32, #tpu.memory_space<vmem>>, %arg3: memref<10000x128xf32, #tpu.memory_space<vmem>>) attributes {dimension_semantics = [], scalar_prefetch = 0 : i64, scratch_operands = 0 : i64, tpu.core_type = #tpu.core_type<tc>} {
    %get3A = arith.constant 0 : index
    %get3A_0 = arith.constant 0 : index
    %get3A_1 = arith.constant 0 : index
    %get3A_2 = vector.load %arg0[%get3A, %get3A_0, %get3A_1] : memref<2x10000x128xf32, #tpu.memory_space<vmem>>, vector<1x10000x128xf32>
    %get3A_3 = vector.shape_cast %get3A_2 : vector<1x10000x128xf32> to vector<10000x128xf32>
    %get3A_4 = arith.constant 1 : index
    %get3A_5 = arith.constant 0 : index
    %get3A_6 = arith.constant 0 : index
    %get3A_7 = vector.load %arg0[%get3A_4, %get3A_5, %get3A_6] : memref<2x10000x128xf32, #tpu.memory_space<vmem>>, vector<1x10000x128xf32>
    %get3A_8 = vector.shape_cast %get3A_7 : vector<1x10000x128xf32> to vector<10000x128xf32>
    %add3A = arith.addf %get3A_3, %get3A_8 : vector<10000x128xf32>
    %get3A_9 = arith.constant 0 : index
    %get3A_10 = arith.constant 0 : index
    %get3A_11 = arith.constant 0 : index
    %get3A_12 = vector.load %arg1[%get3A_9, %get3A_10, %get3A_11] : memref<2x80x128xf32, #tpu.memory_space<vmem>>, vector<1x80x128xf32>
    %get3A_13 = vector.shape_cast %get3A_12 : vector<1x80x128xf32> to vector<80x128xf32>
    %get3A_14 = arith.constant 1 : index
    %get3A_15 = arith.constant 0 : index
    %get3A_16 = arith.constant 0 : index
    %get3A_17 = vector.load %arg1[%get3A_14, %get3A_15, %get3A_16] : memref<2x80x128xf32, #tpu.memory_space<vmem>>, vector<1x80x128xf32>
    %get3A_18 = vector.shape_cast %get3A_17 : vector<1x80x128xf32> to vector<80x128xf32>
    %add3A_19 = arith.addf %get3A_13, %get3A_18 : vector<80x128xf32>
    %add3A_20 = arith.constant 1.000000e+00 : f32
    %add3A_21 = vector.broadcast %add3A_20 : f32 to vector<80x128xf32>
    %add3A_22 = arith.addf %add3A_19, %add3A_21 : vector<80x128xf32>
    %div3A = arith.constant 1.000000e+00 : f32
    %div3A_23 = vector.broadcast %div3A : f32 to vector<80x128xf32>
    %div3A_24 = arith.divf %div3A_23, %add3A_22 : vector<80x128xf32>
    %transpose3A = tpu.transpose %div3A_24, [1, 0] : vector<80x128xf32> -> vector<128x80xf32>
    %slice3A = vector.extract_strided_slice %transpose3A {offsets = [0, 0], sizes = [128, 1], strides = [1, 1]} : vector<128x80xf32> to vector<128x1xf32>
    %slice3A_25 = vector.extract_strided_slice %add3A {offsets = [0, 0], sizes = [128, 128], strides = [1, 1]} : vector<10000x128xf32> to vector<128x128xf32>
    %mul3A = vector.broadcast %slice3A : vector<128x1xf32> to vector<128x128xf32>
    %mul3A_26 = arith.mulf %slice3A_25, %mul3A : vector<128x128xf32>
    %slice3A_27 = vector.extract_strided_slice %transpose3A {offsets = [0, 1], sizes = [128, 1], strides = [1, 1]} : vector<128x80xf32> to vector<128x1xf32>
    %slice3A_28 = vector.extract_strided_slice %add3A {offsets = [128, 0], sizes = [128, 128], strides = [1, 1]} : vector<10000x128xf32> to vector<128x128xf32>
    %mul3A_29 = vector.broadcast %slice3A_27 : vector<128x1xf32> to vector<128x128xf32>
    %mul3A_30 = arith.mulf %slice3A_28, %mul3A_29 : vector<128x128xf32>
    %slice3A_31 = vector.extract_strided_slice %transpose3A {offsets = [0, 2], sizes = [128, 1], strides = [1, 1]} : vector<128x80xf32> to vector<128x1xf32>
    %slice3A_32 = vector.extract_strided_slice %add3A {offsets = [256, 0], sizes = [128, 128], strides = [1, 1]} : vector<10000x128xf32> to vector<128x128xf32>
    %mul3A_33 = vector.broadcast %slice3A_31 : vector<128x1xf32> to vector<128x128xf32>
    %mul3A_34 = arith.mulf %slice3A_32, %mul3A_33 : vector<128x128xf32>
    %slice3A_35 = vector.extract_strided_slice %transpose3A {offsets = [0, 3], sizes = [128, 1], strides = [1, 1]} : vector<128x80xf32> to vector<128x1xf32>
    %slice3A_36 = vector.extract_strided_slice %add3A {offsets = [384, 0], sizes = [128, 128], strides = [1, 1]} : vector<10000x128xf32> to vector<128x128xf32>
    %mul3A_37 = vector.broadcast %slice3A_35 : vector<128x1xf32> to vector<128x128xf32>
    %mul3A_38 = arith.mulf %slice3A_36, %mul3A_37 : vector<128x128xf32>
    %slice3A_39 = vector.extract_strided_slice %transpose3A {offsets = [0, 4], sizes = [128, 1], strides = [1, 1]} : vector<128x80xf32> to vector<128x1xf32>
    %slice3A_40 = vector.extract_strided_slice %add3A {offsets = [512, 0], sizes = [128, 128], strides = [1, 1]} : vector<10000x128xf32> to vector<128x128xf32>
    %mul3A_41 = vector.broadcast %slice3A_39 : vector<128x1xf32> to vector<128x128xf32>
    %mul3A_42 = arith.mulf %slice3A_40, %mul3A_41 : vector<128x128xf32>
    %slice3A_43 = vector.extract_strided_slice %transpose3A {offsets = [0, 5], sizes = [128, 1], strides = [1, 1]} : vector<128x80xf32> to vector<128x1xf32>
    %slice3A_44 = vector.extract_strided_slice %add3A {offsets = [640, 0], sizes = [128, 128], strides = [1, 1]} : vector<10000x128xf32> to vector<128x128xf32>
    %mul3A_45 = vector.broadcast %slice3A_43 : vector<128x1xf32> to vector<128x128xf32>
    %mul3A_46 = arith.mulf %slice3A_44, %mul3A_45 : vector<128x128xf32>
    %slice3A_47 = vector.extract_strided_slice %transpose3A {offsets = [0, 6], sizes = [128, 1], strides = [1, 1]} : vector<128x80xf32> to vector<128x1xf32>
    %slice3A_48 = vector.extract_strided_slice %add3A {offsets = [768, 0], sizes = [128, 128], strides = [1, 1]} : vector<10000x128xf32> to vector<128x128xf32>
    %mul3A_49 = vector.broadcast %slice3A_47 : vector<128x1xf32> to vector<128x128xf32>
    %mul3A_50 = arith.mulf %slice3A_48, %mul3A_49 : vector<128x128xf32>
    %slice3A_51 = vector.extract_strided_slice %transpose3A {offsets = [0, 7], sizes = [128, 1], strides = [1, 1]} : vector<128x80xf32> to vector<128x1xf32>
    %slice3A_52 = vector.extract_strided_slice %add3A {offsets = [896, 0], sizes = [128, 128], strides = [1, 1]} : vector<10000x128xf32> to vector<128x128xf32>
    %mul3A_53 = vector.broadcast %slice3A_51 : vector<128x1xf32> to vector<128x128xf32>
    %mul3A_54 = arith.mulf %slice3A_52, %mul3A_53 : vector<128x128xf32>
    %slice3A_55 = vector.extract_strided_slice %transpose3A {offsets = [0, 8], sizes = [128, 1], strides = [1, 1]} : vector<128x80xf32> to vector<128x1xf32>
    %slice3A_56 = vector.extract_strided_slice %add3A {offsets = [1024, 0], sizes = [128, 128], strides = [1, 1]} : vector<10000x128xf32> to vector<128x128xf32>
    %mul3A_57 = vector.broadcast %slice3A_55 : vector<128x1xf32> to vector<128x128xf32>
    %mul3A_58 = arith.mulf %slice3A_56, %mul3A_57 : vector<128x128xf32>
    %slice3A_59 = vector.extract_strided_slice %transpose3A {offsets = [0, 9], sizes = [128, 1], strides = [1, 1]} : vector<128x80xf32> to vector<128x1xf32>
    %slice3A_60 = vector.extract_strided_slice %add3A {offsets = [1152, 0], sizes = [128, 128], strides = [1, 1]} : vector<10000x128xf32> to vector<128x128xf32>
    %mul3A_61 = vector.broadcast %slice3A_59 : vector<128x1xf32> to vector<128x128xf32>
    %mul3A_62 = arith.mulf %slice3A_60, %mul3A_61 : vector<128x128xf32>
    %slice3A_63 = vector.extract_strided_slice %transpose3A {offsets = [0, 10], sizes = [128, 1], strides = [1, 1]} : vector<128x80xf32> to vector<128x1xf32>
    %slice3A_64 = vector.extract_strided_slice %add3A {offsets = [1280, 0], sizes = [128, 128], strides = [1, 1]} : vector<10000x128xf32> to vector<128x128xf32>
    %mul3A_65 = vector.broadcast %slice3A_63 : vector<128x1xf32> to vector<128x128xf32>
    %mul3A_66 = arith.mulf %slice3A_64, %mul3A_65 : vector<128x128xf32>
    %slice3A_67 = vector.extract_strided_slice %transpose3A {offsets = [0, 11], sizes = [128, 1], strides = [1, 1]} : vector<128x80xf32> to vector<128x1xf32>
    %slice3A_68 = vector.extract_strided_slice %add3A {offsets = [1408, 0], sizes = [128, 128], strides = [1, 1]} : vector<10000x128xf32> to vector<128x128xf32>
    %mul3A_69 = vector.broadcast %slice3A_67 : vector<128x1xf32> to vector<128x128xf32>
    %mul3A_70 = arith.mulf %slice3A_68, %mul3A_69 : vector<128x128xf32>
    %slice3A_71 = vector.extract_strided_slice %transpose3A {offsets = [0, 12], sizes = [128, 1], strides = [1, 1]} : vector<128x80xf32> to vector<128x1xf32>
    %slice3A_72 = vector.extract_strided_slice %add3A {offsets = [1536, 0], sizes = [128, 128], strides = [1, 1]} : vector<10000x128xf32> to vector<128x128xf32>
    %mul3A_73 = vector.broadcast %slice3A_71 : vector<128x1xf32> to vector<128x128xf32>
    %mul3A_74 = arith.mulf %slice3A_72, %mul3A_73 : vector<128x128xf32>
    %slice3A_75 = vector.extract_strided_slice %transpose3A {offsets = [0, 13], sizes = [128, 1], strides = [1, 1]} : vector<128x80xf32> to vector<128x1xf32>
    %slice3A_76 = vector.extract_strided_slice %add3A {offsets = [1664, 0], sizes = [128, 128], strides = [1, 1]} : vector<10000x128xf32> to vector<128x128xf32>
    %mul3A_77 = vector.broadcast %slice3A_75 : vector<128x1xf32> to vector<128x128xf32>
    %mul3A_78 = arith.mulf %slice3A_76, %mul3A_77 : vector<128x128xf32>
    %slice3A_79 = vector.extract_strided_slice %transpose3A {offsets = [0, 14], sizes = [128, 1], strides = [1, 1]} : vector<128x80xf32> to vector<128x1xf32>
    %slice3A_80 = vector.extract_strided_slice %add3A {offsets = [1792, 0], sizes = [128, 128], strides = [1, 1]} : vector<10000x128xf32> to vector<128x128xf32>
    %mul3A_81 = vector.broadcast %slice3A_79 : vector<128x1xf32> to vector<128x128xf32>
    %mul3A_82 = arith.mulf %slice3A_80, %mul3A_81 : vector<128x128xf32>
    %slice3A_83 = vector.extract_strided_slice %transpose3A {offsets = [0, 15], sizes = [128, 1], strides = [1, 1]} : vector<128x80xf32> to vector<128x1xf32>
    %slice3A_84 = vector.extract_strided_slice %add3A {offsets = [1920, 0], sizes = [128, 128], strides = [1, 1]} : vector<10000x128xf32> to vector<128x128xf32>
    %mul3A_85 = vector.broadcast %slice3A_83 : vector<128x1xf32> to vector<128x128xf32>
    %mul3A_86 = arith.mulf %slice3A_84, %mul3A_85 : vector<128x128xf32>
    %slice3A_87 = vector.extract_strided_slice %transpose3A {offsets = [0, 16], sizes = [128, 1], strides = [1, 1]} : vector<128x80xf32> to vector<128x1xf32>
    %slice3A_88 = vector.extract_strided_slice %add3A {offsets = [2048, 0], sizes = [128, 128], strides = [1, 1]} : vector<10000x128xf32> to vector<128x128xf32>
    %mul3A_89 = vector.broadcast %slice3A_87 : vector<128x1xf32> to vector<128x128xf32>
    %mul3A_90 = arith.mulf %slice3A_88, %mul3A_89 : vector<128x128xf32>
    %slice3A_91 = vector.extract_strided_slice %transpose3A {offsets = [0, 17], sizes = [128, 1], strides = [1, 1]} : vector<128x80xf32> to vector<128x1xf32>
    %slice3A_92 = vector.extract_strided_slice %add3A {offsets = [2176, 0], sizes = [128, 128], strides = [1, 1]} : vector<10000x128xf32> to vector<128x128xf32>
    %mul3A_93 = vector.broadcast %slice3A_91 : vector<128x1xf32> to vector<128x128xf32>
    %mul3A_94 = arith.mulf %slice3A_92, %mul3A_93 : vector<128x128xf32>
    %slice3A_95 = vector.extract_strided_slice %transpose3A {offsets = [0, 18], sizes = [128, 1], strides = [1, 1]} : vector<128x80xf32> to vector<128x1xf32>
    %slice3A_96 = vector.extract_strided_slice %add3A {offsets = [2304, 0], sizes = [128, 128], strides = [1, 1]} : vector<10000x128xf32> to vector<128x128xf32>
    %mul3A_97 = vector.broadcast %slice3A_95 : vector<128x1xf32> to vector<128x128xf32>
    %mul3A_98 = arith.mulf %slice3A_96, %mul3A_97 : vector<128x128xf32>
    %slice3A_99 = vector.extract_strided_slice %transpose3A {offsets = [0, 19], sizes = [128, 1], strides = [1, 1]} : vector<128x80xf32> to vector<128x1xf32>
    %slice3A_100 = vector.extract_strided_slice %add3A {offsets = [2432, 0], sizes = [128, 128], strides = [1, 1]} : vector<10000x128xf32> to vector<128x128xf32>
    %mul3A_101 = vector.broadcast %slice3A_99 : vector<128x1xf32> to vector<128x128xf32>
    %mul3A_102 = arith.mulf %slice3A_100, %mul3A_101 : vector<128x128xf32>
    %slice3A_103 = vector.extract_strided_slice %transpose3A {offsets = [0, 20], sizes = [128, 1], strides = [1, 1]} : vector<128x80xf32> to vector<128x1xf32>
    %slice3A_104 = vector.extract_strided_slice %add3A {offsets = [2560, 0], sizes = [128, 128], strides = [1, 1]} : vector<10000x128xf32> to vector<128x128xf32>
    %mul3A_105 = vector.broadcast %slice3A_103 : vector<128x1xf32> to vector<128x128xf32>
    %mul3A_106 = arith.mulf %slice3A_104, %mul3A_105 : vector<128x128xf32>
    %slice3A_107 = vector.extract_strided_slice %transpose3A {offsets = [0, 21], sizes = [128, 1], strides = [1, 1]} : vector<128x80xf32> to vector<128x1xf32>
    %slice3A_108 = vector.extract_strided_slice %add3A {offsets = [2688, 0], sizes = [128, 128], strides = [1, 1]} : vector<10000x128xf32> to vector<128x128xf32>
    %mul3A_109 = vector.broadcast %slice3A_107 : vector<128x1xf32> to vector<128x128xf32>
    %mul3A_110 = arith.mulf %slice3A_108, %mul3A_109 : vector<128x128xf32>
    %slice3A_111 = vector.extract_strided_slice %transpose3A {offsets = [0, 22], sizes = [128, 1], strides = [1, 1]} : vector<128x80xf32> to vector<128x1xf32>
    %slice3A_112 = vector.extract_strided_slice %add3A {offsets = [2816, 0], sizes = [128, 128], strides = [1, 1]} : vector<10000x128xf32> to vector<128x128xf32>
    %mul3A_113 = vector.broadcast %slice3A_111 : vector<128x1xf32> to vector<128x128xf32>
    %mul3A_114 = arith.mulf %slice3A_112, %mul3A_113 : vector<128x128xf32>
    %slice3A_115 = vector.extract_strided_slice %transpose3A {offsets = [0, 23], sizes = [128, 1], strides = [1, 1]} : vector<128x80xf32> to vector<128x1xf32>
    %slice3A_116 = vector.extract_strided_slice %add3A {offsets = [2944, 0], sizes = [128, 128], strides = [1, 1]} : vector<10000x128xf32> to vector<128x128xf32>
    %mul3A_117 = vector.broadcast %slice3A_115 : vector<128x1xf32> to vector<128x128xf32>
    %mul3A_118 = arith.mulf %slice3A_116, %mul3A_117 : vector<128x128xf32>
    %slice3A_119 = vector.extract_strided_slice %transpose3A {offsets = [0, 24], sizes = [128, 1], strides = [1, 1]} : vector<128x80xf32> to vector<128x1xf32>
    %slice3A_120 = vector.extract_strided_slice %add3A {offsets = [3072, 0], sizes = [128, 128], strides = [1, 1]} : vector<10000x128xf32> to vector<128x128xf32>
    %mul3A_121 = vector.broadcast %slice3A_119 : vector<128x1xf32> to vector<128x128xf32>
    %mul3A_122 = arith.mulf %slice3A_120, %mul3A_121 : vector<128x128xf32>
    %slice3A_123 = vector.extract_strided_slice %transpose3A {offsets = [0, 25], sizes = [128, 1], strides = [1, 1]} : vector<128x80xf32> to vector<128x1xf32>
    %slice3A_124 = vector.extract_strided_slice %add3A {offsets = [3200, 0], sizes = [128, 128], strides = [1, 1]} : vector<10000x128xf32> to vector<128x128xf32>
    %mul3A_125 = vector.broadcast %slice3A_123 : vector<128x1xf32> to vector<128x128xf32>
    %mul3A_126 = arith.mulf %slice3A_124, %mul3A_125 : vector<128x128xf32>
    %slice3A_127 = vector.extract_strided_slice %transpose3A {offsets = [0, 26], sizes = [128, 1], strides = [1, 1]} : vector<128x80xf32> to vector<128x1xf32>
    %slice3A_128 = vector.extract_strided_slice %add3A {offsets = [3328, 0], sizes = [128, 128], strides = [1, 1]} : vector<10000x128xf32> to vector<128x128xf32>
    %mul3A_129 = vector.broadcast %slice3A_127 : vector<128x1xf32> to vector<128x128xf32>
    %mul3A_130 = arith.mulf %slice3A_128, %mul3A_129 : vector<128x128xf32>
    %slice3A_131 = vector.extract_strided_slice %transpose3A {offsets = [0, 27], sizes = [128, 1], strides = [1, 1]} : vector<128x80xf32> to vector<128x1xf32>
    %slice3A_132 = vector.extract_strided_slice %add3A {offsets = [3456, 0], sizes = [128, 128], strides = [1, 1]} : vector<10000x128xf32> to vector<128x128xf32>
    %mul3A_133 = vector.broadcast %slice3A_131 : vector<128x1xf32> to vector<128x128xf32>
    %mul3A_134 = arith.mulf %slice3A_132, %mul3A_133 : vector<128x128xf32>
    %slice3A_135 = vector.extract_strided_slice %transpose3A {offsets = [0, 28], sizes = [128, 1], strides = [1, 1]} : vector<128x80xf32> to vector<128x1xf32>
    %slice3A_136 = vector.extract_strided_slice %add3A {offsets = [3584, 0], sizes = [128, 128], strides = [1, 1]} : vector<10000x128xf32> to vector<128x128xf32>
    %mul3A_137 = vector.broadcast %slice3A_135 : vector<128x1xf32> to vector<128x128xf32>
    %mul3A_138 = arith.mulf %slice3A_136, %mul3A_137 : vector<128x128xf32>
    %slice3A_139 = vector.extract_strided_slice %transpose3A {offsets = [0, 29], sizes = [128, 1], strides = [1, 1]} : vector<128x80xf32> to vector<128x1xf32>
    %slice3A_140 = vector.extract_strided_slice %add3A {offsets = [3712, 0], sizes = [128, 128], strides = [1, 1]} : vector<10000x128xf32> to vector<128x128xf32>
    %mul3A_141 = vector.broadcast %slice3A_139 : vector<128x1xf32> to vector<128x128xf32>
    %mul3A_142 = arith.mulf %slice3A_140, %mul3A_141 : vector<128x128xf32>
    %slice3A_143 = vector.extract_strided_slice %transpose3A {offsets = [0, 30], sizes = [128, 1], strides = [1, 1]} : vector<128x80xf32> to vector<128x1xf32>
    %slice3A_144 = vector.extract_strided_slice %add3A {offsets = [3840, 0], sizes = [128, 128], strides = [1, 1]} : vector<10000x128xf32> to vector<128x128xf32>
    %mul3A_145 = vector.broadcast %slice3A_143 : vector<128x1xf32> to vector<128x128xf32>
    %mul3A_146 = arith.mulf %slice3A_144, %mul3A_145 : vector<128x128xf32>
    %slice3A_147 = vector.extract_strided_slice %transpose3A {offsets = [0, 31], sizes = [128, 1], strides = [1, 1]} : vector<128x80xf32> to vector<128x1xf32>
    %slice3A_148 = vector.extract_strided_slice %add3A {offsets = [3968, 0], sizes = [128, 128], strides = [1, 1]} : vector<10000x128xf32> to vector<128x128xf32>
    %mul3A_149 = vector.broadcast %slice3A_147 : vector<128x1xf32> to vector<128x128xf32>
    %mul3A_150 = arith.mulf %slice3A_148, %mul3A_149 : vector<128x128xf32>
    %slice3A_151 = vector.extract_strided_slice %transpose3A {offsets = [0, 32], sizes = [128, 1], strides = [1, 1]} : vector<128x80xf32> to vector<128x1xf32>
    %slice3A_152 = vector.extract_strided_slice %add3A {offsets = [4096, 0], sizes = [128, 128], strides = [1, 1]} : vector<10000x128xf32> to vector<128x128xf32>
    %mul3A_153 = vector.broadcast %slice3A_151 : vector<128x1xf32> to vector<128x128xf32>
    %mul3A_154 = arith.mulf %slice3A_152, %mul3A_153 : vector<128x128xf32>
    %slice3A_155 = vector.extract_strided_slice %transpose3A {offsets = [0, 33], sizes = [128, 1], strides = [1, 1]} : vector<128x80xf32> to vector<128x1xf32>
    %slice3A_156 = vector.extract_strided_slice %add3A {offsets = [4224, 0], sizes = [128, 128], strides = [1, 1]} : vector<10000x128xf32> to vector<128x128xf32>
    %mul3A_157 = vector.broadcast %slice3A_155 : vector<128x1xf32> to vector<128x128xf32>
    %mul3A_158 = arith.mulf %slice3A_156, %mul3A_157 : vector<128x128xf32>
    %slice3A_159 = vector.extract_strided_slice %transpose3A {offsets = [0, 34], sizes = [128, 1], strides = [1, 1]} : vector<128x80xf32> to vector<128x1xf32>
    %slice3A_160 = vector.extract_strided_slice %add3A {offsets = [4352, 0], sizes = [128, 128], strides = [1, 1]} : vector<10000x128xf32> to vector<128x128xf32>
    %mul3A_161 = vector.broadcast %slice3A_159 : vector<128x1xf32> to vector<128x128xf32>
    %mul3A_162 = arith.mulf %slice3A_160, %mul3A_161 : vector<128x128xf32>
    %slice3A_163 = vector.extract_strided_slice %transpose3A {offsets = [0, 35], sizes = [128, 1], strides = [1, 1]} : vector<128x80xf32> to vector<128x1xf32>
    %slice3A_164 = vector.extract_strided_slice %add3A {offsets = [4480, 0], sizes = [128, 128], strides = [1, 1]} : vector<10000x128xf32> to vector<128x128xf32>
    %mul3A_165 = vector.broadcast %slice3A_163 : vector<128x1xf32> to vector<128x128xf32>
    %mul3A_166 = arith.mulf %slice3A_164, %mul3A_165 : vector<128x128xf32>
    %slice3A_167 = vector.extract_strided_slice %transpose3A {offsets = [0, 36], sizes = [128, 1], strides = [1, 1]} : vector<128x80xf32> to vector<128x1xf32>
    %slice3A_168 = vector.extract_strided_slice %add3A {offsets = [4608, 0], sizes = [128, 128], strides = [1, 1]} : vector<10000x128xf32> to vector<128x128xf32>
    %mul3A_169 = vector.broadcast %slice3A_167 : vector<128x1xf32> to vector<128x128xf32>
    %mul3A_170 = arith.mulf %slice3A_168, %mul3A_169 : vector<128x128xf32>
    %slice3A_171 = vector.extract_strided_slice %transpose3A {offsets = [0, 37], sizes = [128, 1], strides = [1, 1]} : vector<128x80xf32> to vector<128x1xf32>
    %slice3A_172 = vector.extract_strided_slice %add3A {offsets = [4736, 0], sizes = [128, 128], strides = [1, 1]} : vector<10000x128xf32> to vector<128x128xf32>
    %mul3A_173 = vector.broadcast %slice3A_171 : vector<128x1xf32> to vector<128x128xf32>
    %mul3A_174 = arith.mulf %slice3A_172, %mul3A_173 : vector<128x128xf32>
    %slice3A_175 = vector.extract_strided_slice %transpose3A {offsets = [0, 38], sizes = [128, 1], strides = [1, 1]} : vector<128x80xf32> to vector<128x1xf32>
    %slice3A_176 = vector.extract_strided_slice %add3A {offsets = [4864, 0], sizes = [128, 128], strides = [1, 1]} : vector<10000x128xf32> to vector<128x128xf32>
    %mul3A_177 = vector.broadcast %slice3A_175 : vector<128x1xf32> to vector<128x128xf32>
    %mul3A_178 = arith.mulf %slice3A_176, %mul3A_177 : vector<128x128xf32>
    %slice3A_179 = vector.extract_strided_slice %transpose3A {offsets = [0, 39], sizes = [128, 1], strides = [1, 1]} : vector<128x80xf32> to vector<128x1xf32>
    %slice3A_180 = vector.extract_strided_slice %add3A {offsets = [4992, 0], sizes = [128, 128], strides = [1, 1]} : vector<10000x128xf32> to vector<128x128xf32>
    %mul3A_181 = vector.broadcast %slice3A_179 : vector<128x1xf32> to vector<128x128xf32>
    %mul3A_182 = arith.mulf %slice3A_180, %mul3A_181 : vector<128x128xf32>
    %slice3A_183 = vector.extract_strided_slice %transpose3A {offsets = [0, 40], sizes = [128, 1], strides = [1, 1]} : vector<128x80xf32> to vector<128x1xf32>
    %slice3A_184 = vector.extract_strided_slice %add3A {offsets = [5120, 0], sizes = [128, 128], strides = [1, 1]} : vector<10000x128xf32> to vector<128x128xf32>
    %mul3A_185 = vector.broadcast %slice3A_183 : vector<128x1xf32> to vector<128x128xf32>
    %mul3A_186 = arith.mulf %slice3A_184, %mul3A_185 : vector<128x128xf32>
    %slice3A_187 = vector.extract_strided_slice %transpose3A {offsets = [0, 41], sizes = [128, 1], strides = [1, 1]} : vector<128x80xf32> to vector<128x1xf32>
    %slice3A_188 = vector.extract_strided_slice %add3A {offsets = [5248, 0], sizes = [128, 128], strides = [1, 1]} : vector<10000x128xf32> to vector<128x128xf32>
    %mul3A_189 = vector.broadcast %slice3A_187 : vector<128x1xf32> to vector<128x128xf32>
    %mul3A_190 = arith.mulf %slice3A_188, %mul3A_189 : vector<128x128xf32>
    %slice3A_191 = vector.extract_strided_slice %transpose3A {offsets = [0, 42], sizes = [128, 1], strides = [1, 1]} : vector<128x80xf32> to vector<128x1xf32>
    %slice3A_192 = vector.extract_strided_slice %add3A {offsets = [5376, 0], sizes = [128, 128], strides = [1, 1]} : vector<10000x128xf32> to vector<128x128xf32>
    %mul3A_193 = vector.broadcast %slice3A_191 : vector<128x1xf32> to vector<128x128xf32>
    %mul3A_194 = arith.mulf %slice3A_192, %mul3A_193 : vector<128x128xf32>
    %slice3A_195 = vector.extract_strided_slice %transpose3A {offsets = [0, 43], sizes = [128, 1], strides = [1, 1]} : vector<128x80xf32> to vector<128x1xf32>
    %slice3A_196 = vector.extract_strided_slice %add3A {offsets = [5504, 0], sizes = [128, 128], strides = [1, 1]} : vector<10000x128xf32> to vector<128x128xf32>
    %mul3A_197 = vector.broadcast %slice3A_195 : vector<128x1xf32> to vector<128x128xf32>
    %mul3A_198 = arith.mulf %slice3A_196, %mul3A_197 : vector<128x128xf32>
    %slice3A_199 = vector.extract_strided_slice %transpose3A {offsets = [0, 44], sizes = [128, 1], strides = [1, 1]} : vector<128x80xf32> to vector<128x1xf32>
    %slice3A_200 = vector.extract_strided_slice %add3A {offsets = [5632, 0], sizes = [128, 128], strides = [1, 1]} : vector<10000x128xf32> to vector<128x128xf32>
    %mul3A_201 = vector.broadcast %slice3A_199 : vector<128x1xf32> to vector<128x128xf32>
    %mul3A_202 = arith.mulf %slice3A_200, %mul3A_201 : vector<128x128xf32>
    %slice3A_203 = vector.extract_strided_slice %transpose3A {offsets = [0, 45], sizes = [128, 1], strides = [1, 1]} : vector<128x80xf32> to vector<128x1xf32>
    %slice3A_204 = vector.extract_strided_slice %add3A {offsets = [5760, 0], sizes = [128, 128], strides = [1, 1]} : vector<10000x128xf32> to vector<128x128xf32>
    %mul3A_205 = vector.broadcast %slice3A_203 : vector<128x1xf32> to vector<128x128xf32>
    %mul3A_206 = arith.mulf %slice3A_204, %mul3A_205 : vector<128x128xf32>
    %slice3A_207 = vector.extract_strided_slice %transpose3A {offsets = [0, 46], sizes = [128, 1], strides = [1, 1]} : vector<128x80xf32> to vector<128x1xf32>
    %slice3A_208 = vector.extract_strided_slice %add3A {offsets = [5888, 0], sizes = [128, 128], strides = [1, 1]} : vector<10000x128xf32> to vector<128x128xf32>
    %mul3A_209 = vector.broadcast %slice3A_207 : vector<128x1xf32> to vector<128x128xf32>
    %mul3A_210 = arith.mulf %slice3A_208, %mul3A_209 : vector<128x128xf32>
    %slice3A_211 = vector.extract_strided_slice %transpose3A {offsets = [0, 47], sizes = [128, 1], strides = [1, 1]} : vector<128x80xf32> to vector<128x1xf32>
    %slice3A_212 = vector.extract_strided_slice %add3A {offsets = [6016, 0], sizes = [128, 128], strides = [1, 1]} : vector<10000x128xf32> to vector<128x128xf32>
    %mul3A_213 = vector.broadcast %slice3A_211 : vector<128x1xf32> to vector<128x128xf32>
    %mul3A_214 = arith.mulf %slice3A_212, %mul3A_213 : vector<128x128xf32>
    %slice3A_215 = vector.extract_strided_slice %transpose3A {offsets = [0, 48], sizes = [128, 1], strides = [1, 1]} : vector<128x80xf32> to vector<128x1xf32>
    %slice3A_216 = vector.extract_strided_slice %add3A {offsets = [6144, 0], sizes = [128, 128], strides = [1, 1]} : vector<10000x128xf32> to vector<128x128xf32>
    %mul3A_217 = vector.broadcast %slice3A_215 : vector<128x1xf32> to vector<128x128xf32>
    %mul3A_218 = arith.mulf %slice3A_216, %mul3A_217 : vector<128x128xf32>
    %slice3A_219 = vector.extract_strided_slice %transpose3A {offsets = [0, 49], sizes = [128, 1], strides = [1, 1]} : vector<128x80xf32> to vector<128x1xf32>
    %slice3A_220 = vector.extract_strided_slice %add3A {offsets = [6272, 0], sizes = [128, 128], strides = [1, 1]} : vector<10000x128xf32> to vector<128x128xf32>
    %mul3A_221 = vector.broadcast %slice3A_219 : vector<128x1xf32> to vector<128x128xf32>
    %mul3A_222 = arith.mulf %slice3A_220, %mul3A_221 : vector<128x128xf32>
    %slice3A_223 = vector.extract_strided_slice %transpose3A {offsets = [0, 50], sizes = [128, 1], strides = [1, 1]} : vector<128x80xf32> to vector<128x1xf32>
    %slice3A_224 = vector.extract_strided_slice %add3A {offsets = [6400, 0], sizes = [128, 128], strides = [1, 1]} : vector<10000x128xf32> to vector<128x128xf32>
    %mul3A_225 = vector.broadcast %slice3A_223 : vector<128x1xf32> to vector<128x128xf32>
    %mul3A_226 = arith.mulf %slice3A_224, %mul3A_225 : vector<128x128xf32>
    %slice3A_227 = vector.extract_strided_slice %transpose3A {offsets = [0, 51], sizes = [128, 1], strides = [1, 1]} : vector<128x80xf32> to vector<128x1xf32>
    %slice3A_228 = vector.extract_strided_slice %add3A {offsets = [6528, 0], sizes = [128, 128], strides = [1, 1]} : vector<10000x128xf32> to vector<128x128xf32>
    %mul3A_229 = vector.broadcast %slice3A_227 : vector<128x1xf32> to vector<128x128xf32>
    %mul3A_230 = arith.mulf %slice3A_228, %mul3A_229 : vector<128x128xf32>
    %slice3A_231 = vector.extract_strided_slice %transpose3A {offsets = [0, 52], sizes = [128, 1], strides = [1, 1]} : vector<128x80xf32> to vector<128x1xf32>
    %slice3A_232 = vector.extract_strided_slice %add3A {offsets = [6656, 0], sizes = [128, 128], strides = [1, 1]} : vector<10000x128xf32> to vector<128x128xf32>
    %mul3A_233 = vector.broadcast %slice3A_231 : vector<128x1xf32> to vector<128x128xf32>
    %mul3A_234 = arith.mulf %slice3A_232, %mul3A_233 : vector<128x128xf32>
    %slice3A_235 = vector.extract_strided_slice %transpose3A {offsets = [0, 53], sizes = [128, 1], strides = [1, 1]} : vector<128x80xf32> to vector<128x1xf32>
    %slice3A_236 = vector.extract_strided_slice %add3A {offsets = [6784, 0], sizes = [128, 128], strides = [1, 1]} : vector<10000x128xf32> to vector<128x128xf32>
    %mul3A_237 = vector.broadcast %slice3A_235 : vector<128x1xf32> to vector<128x128xf32>
    %mul3A_238 = arith.mulf %slice3A_236, %mul3A_237 : vector<128x128xf32>
    %slice3A_239 = vector.extract_strided_slice %transpose3A {offsets = [0, 54], sizes = [128, 1], strides = [1, 1]} : vector<128x80xf32> to vector<128x1xf32>
    %slice3A_240 = vector.extract_strided_slice %add3A {offsets = [6912, 0], sizes = [128, 128], strides = [1, 1]} : vector<10000x128xf32> to vector<128x128xf32>
    %mul3A_241 = vector.broadcast %slice3A_239 : vector<128x1xf32> to vector<128x128xf32>
    %mul3A_242 = arith.mulf %slice3A_240, %mul3A_241 : vector<128x128xf32>
    %slice3A_243 = vector.extract_strided_slice %transpose3A {offsets = [0, 55], sizes = [128, 1], strides = [1, 1]} : vector<128x80xf32> to vector<128x1xf32>
    %slice3A_244 = vector.extract_strided_slice %add3A {offsets = [7040, 0], sizes = [128, 128], strides = [1, 1]} : vector<10000x128xf32> to vector<128x128xf32>
    %mul3A_245 = vector.broadcast %slice3A_243 : vector<128x1xf32> to vector<128x128xf32>
    %mul3A_246 = arith.mulf %slice3A_244, %mul3A_245 : vector<128x128xf32>
    %slice3A_247 = vector.extract_strided_slice %transpose3A {offsets = [0, 56], sizes = [128, 1], strides = [1, 1]} : vector<128x80xf32> to vector<128x1xf32>
    %slice3A_248 = vector.extract_strided_slice %add3A {offsets = [7168, 0], sizes = [128, 128], strides = [1, 1]} : vector<10000x128xf32> to vector<128x128xf32>
    %mul3A_249 = vector.broadcast %slice3A_247 : vector<128x1xf32> to vector<128x128xf32>
    %mul3A_250 = arith.mulf %slice3A_248, %mul3A_249 : vector<128x128xf32>
    %slice3A_251 = vector.extract_strided_slice %transpose3A {offsets = [0, 57], sizes = [128, 1], strides = [1, 1]} : vector<128x80xf32> to vector<128x1xf32>
    %slice3A_252 = vector.extract_strided_slice %add3A {offsets = [7296, 0], sizes = [128, 128], strides = [1, 1]} : vector<10000x128xf32> to vector<128x128xf32>
    %mul3A_253 = vector.broadcast %slice3A_251 : vector<128x1xf32> to vector<128x128xf32>
    %mul3A_254 = arith.mulf %slice3A_252, %mul3A_253 : vector<128x128xf32>
    %slice3A_255 = vector.extract_strided_slice %transpose3A {offsets = [0, 58], sizes = [128, 1], strides = [1, 1]} : vector<128x80xf32> to vector<128x1xf32>
    %slice3A_256 = vector.extract_strided_slice %add3A {offsets = [7424, 0], sizes = [128, 128], strides = [1, 1]} : vector<10000x128xf32> to vector<128x128xf32>
    %mul3A_257 = vector.broadcast %slice3A_255 : vector<128x1xf32> to vector<128x128xf32>
    %mul3A_258 = arith.mulf %slice3A_256, %mul3A_257 : vector<128x128xf32>
    %slice3A_259 = vector.extract_strided_slice %transpose3A {offsets = [0, 59], sizes = [128, 1], strides = [1, 1]} : vector<128x80xf32> to vector<128x1xf32>
    %slice3A_260 = vector.extract_strided_slice %add3A {offsets = [7552, 0], sizes = [128, 128], strides = [1, 1]} : vector<10000x128xf32> to vector<128x128xf32>
    %mul3A_261 = vector.broadcast %slice3A_259 : vector<128x1xf32> to vector<128x128xf32>
    %mul3A_262 = arith.mulf %slice3A_260, %mul3A_261 : vector<128x128xf32>
    %slice3A_263 = vector.extract_strided_slice %transpose3A {offsets = [0, 60], sizes = [128, 1], strides = [1, 1]} : vector<128x80xf32> to vector<128x1xf32>
    %slice3A_264 = vector.extract_strided_slice %add3A {offsets = [7680, 0], sizes = [128, 128], strides = [1, 1]} : vector<10000x128xf32> to vector<128x128xf32>
    %mul3A_265 = vector.broadcast %slice3A_263 : vector<128x1xf32> to vector<128x128xf32>
    %mul3A_266 = arith.mulf %slice3A_264, %mul3A_265 : vector<128x128xf32>
    %slice3A_267 = vector.extract_strided_slice %transpose3A {offsets = [0, 61], sizes = [128, 1], strides = [1, 1]} : vector<128x80xf32> to vector<128x1xf32>
    %slice3A_268 = vector.extract_strided_slice %add3A {offsets = [7808, 0], sizes = [128, 128], strides = [1, 1]} : vector<10000x128xf32> to vector<128x128xf32>
    %mul3A_269 = vector.broadcast %slice3A_267 : vector<128x1xf32> to vector<128x128xf32>
    %mul3A_270 = arith.mulf %slice3A_268, %mul3A_269 : vector<128x128xf32>
    %slice3A_271 = vector.extract_strided_slice %transpose3A {offsets = [0, 62], sizes = [128, 1], strides = [1, 1]} : vector<128x80xf32> to vector<128x1xf32>
    %slice3A_272 = vector.extract_strided_slice %add3A {offsets = [7936, 0], sizes = [128, 128], strides = [1, 1]} : vector<10000x128xf32> to vector<128x128xf32>
    %mul3A_273 = vector.broadcast %slice3A_271 : vector<128x1xf32> to vector<128x128xf32>
    %mul3A_274 = arith.mulf %slice3A_272, %mul3A_273 : vector<128x128xf32>
    %slice3A_275 = vector.extract_strided_slice %transpose3A {offsets = [0, 63], sizes = [128, 1], strides = [1, 1]} : vector<128x80xf32> to vector<128x1xf32>
    %slice3A_276 = vector.extract_strided_slice %add3A {offsets = [8064, 0], sizes = [128, 128], strides = [1, 1]} : vector<10000x128xf32> to vector<128x128xf32>
    %mul3A_277 = vector.broadcast %slice3A_275 : vector<128x1xf32> to vector<128x128xf32>
    %mul3A_278 = arith.mulf %slice3A_276, %mul3A_277 : vector<128x128xf32>
    %slice3A_279 = vector.extract_strided_slice %transpose3A {offsets = [0, 64], sizes = [128, 1], strides = [1, 1]} : vector<128x80xf32> to vector<128x1xf32>
    %slice3A_280 = vector.extract_strided_slice %add3A {offsets = [8192, 0], sizes = [128, 128], strides = [1, 1]} : vector<10000x128xf32> to vector<128x128xf32>
    %mul3A_281 = vector.broadcast %slice3A_279 : vector<128x1xf32> to vector<128x128xf32>
    %mul3A_282 = arith.mulf %slice3A_280, %mul3A_281 : vector<128x128xf32>
    %slice3A_283 = vector.extract_strided_slice %transpose3A {offsets = [0, 65], sizes = [128, 1], strides = [1, 1]} : vector<128x80xf32> to vector<128x1xf32>
    %slice3A_284 = vector.extract_strided_slice %add3A {offsets = [8320, 0], sizes = [128, 128], strides = [1, 1]} : vector<10000x128xf32> to vector<128x128xf32>
    %mul3A_285 = vector.broadcast %slice3A_283 : vector<128x1xf32> to vector<128x128xf32>
    %mul3A_286 = arith.mulf %slice3A_284, %mul3A_285 : vector<128x128xf32>
    %slice3A_287 = vector.extract_strided_slice %transpose3A {offsets = [0, 66], sizes = [128, 1], strides = [1, 1]} : vector<128x80xf32> to vector<128x1xf32>
    %slice3A_288 = vector.extract_strided_slice %add3A {offsets = [8448, 0], sizes = [128, 128], strides = [1, 1]} : vector<10000x128xf32> to vector<128x128xf32>
    %mul3A_289 = vector.broadcast %slice3A_287 : vector<128x1xf32> to vector<128x128xf32>
    %mul3A_290 = arith.mulf %slice3A_288, %mul3A_289 : vector<128x128xf32>
    %slice3A_291 = vector.extract_strided_slice %transpose3A {offsets = [0, 67], sizes = [128, 1], strides = [1, 1]} : vector<128x80xf32> to vector<128x1xf32>
    %slice3A_292 = vector.extract_strided_slice %add3A {offsets = [8576, 0], sizes = [128, 128], strides = [1, 1]} : vector<10000x128xf32> to vector<128x128xf32>
    %mul3A_293 = vector.broadcast %slice3A_291 : vector<128x1xf32> to vector<128x128xf32>
    %mul3A_294 = arith.mulf %slice3A_292, %mul3A_293 : vector<128x128xf32>
    %slice3A_295 = vector.extract_strided_slice %transpose3A {offsets = [0, 68], sizes = [128, 1], strides = [1, 1]} : vector<128x80xf32> to vector<128x1xf32>
    %slice3A_296 = vector.extract_strided_slice %add3A {offsets = [8704, 0], sizes = [128, 128], strides = [1, 1]} : vector<10000x128xf32> to vector<128x128xf32>
    %mul3A_297 = vector.broadcast %slice3A_295 : vector<128x1xf32> to vector<128x128xf32>
    %mul3A_298 = arith.mulf %slice3A_296, %mul3A_297 : vector<128x128xf32>
    %slice3A_299 = vector.extract_strided_slice %transpose3A {offsets = [0, 69], sizes = [128, 1], strides = [1, 1]} : vector<128x80xf32> to vector<128x1xf32>
    %slice3A_300 = vector.extract_strided_slice %add3A {offsets = [8832, 0], sizes = [128, 128], strides = [1, 1]} : vector<10000x128xf32> to vector<128x128xf32>
    %mul3A_301 = vector.broadcast %slice3A_299 : vector<128x1xf32> to vector<128x128xf32>
    %mul3A_302 = arith.mulf %slice3A_300, %mul3A_301 : vector<128x128xf32>
    %slice3A_303 = vector.extract_strided_slice %transpose3A {offsets = [0, 70], sizes = [128, 1], strides = [1, 1]} : vector<128x80xf32> to vector<128x1xf32>
    %slice3A_304 = vector.extract_strided_slice %add3A {offsets = [8960, 0], sizes = [128, 128], strides = [1, 1]} : vector<10000x128xf32> to vector<128x128xf32>
    %mul3A_305 = vector.broadcast %slice3A_303 : vector<128x1xf32> to vector<128x128xf32>
    %mul3A_306 = arith.mulf %slice3A_304, %mul3A_305 : vector<128x128xf32>
    %slice3A_307 = vector.extract_strided_slice %transpose3A {offsets = [0, 71], sizes = [128, 1], strides = [1, 1]} : vector<128x80xf32> to vector<128x1xf32>
    %slice3A_308 = vector.extract_strided_slice %add3A {offsets = [9088, 0], sizes = [128, 128], strides = [1, 1]} : vector<10000x128xf32> to vector<128x128xf32>
    %mul3A_309 = vector.broadcast %slice3A_307 : vector<128x1xf32> to vector<128x128xf32>
    %mul3A_310 = arith.mulf %slice3A_308, %mul3A_309 : vector<128x128xf32>
    %slice3A_311 = vector.extract_strided_slice %transpose3A {offsets = [0, 72], sizes = [128, 1], strides = [1, 1]} : vector<128x80xf32> to vector<128x1xf32>
    %slice3A_312 = vector.extract_strided_slice %add3A {offsets = [9216, 0], sizes = [128, 128], strides = [1, 1]} : vector<10000x128xf32> to vector<128x128xf32>
    %mul3A_313 = vector.broadcast %slice3A_311 : vector<128x1xf32> to vector<128x128xf32>
    %mul3A_314 = arith.mulf %slice3A_312, %mul3A_313 : vector<128x128xf32>
    %slice3A_315 = vector.extract_strided_slice %transpose3A {offsets = [0, 73], sizes = [128, 1], strides = [1, 1]} : vector<128x80xf32> to vector<128x1xf32>
    %slice3A_316 = vector.extract_strided_slice %add3A {offsets = [9344, 0], sizes = [128, 128], strides = [1, 1]} : vector<10000x128xf32> to vector<128x128xf32>
    %mul3A_317 = vector.broadcast %slice3A_315 : vector<128x1xf32> to vector<128x128xf32>
    %mul3A_318 = arith.mulf %slice3A_316, %mul3A_317 : vector<128x128xf32>
    %slice3A_319 = vector.extract_strided_slice %transpose3A {offsets = [0, 74], sizes = [128, 1], strides = [1, 1]} : vector<128x80xf32> to vector<128x1xf32>
    %slice3A_320 = vector.extract_strided_slice %add3A {offsets = [9472, 0], sizes = [128, 128], strides = [1, 1]} : vector<10000x128xf32> to vector<128x128xf32>
    %mul3A_321 = vector.broadcast %slice3A_319 : vector<128x1xf32> to vector<128x128xf32>
    %mul3A_322 = arith.mulf %slice3A_320, %mul3A_321 : vector<128x128xf32>
    %slice3A_323 = vector.extract_strided_slice %transpose3A {offsets = [0, 75], sizes = [128, 1], strides = [1, 1]} : vector<128x80xf32> to vector<128x1xf32>
    %slice3A_324 = vector.extract_strided_slice %add3A {offsets = [9600, 0], sizes = [128, 128], strides = [1, 1]} : vector<10000x128xf32> to vector<128x128xf32>
    %mul3A_325 = vector.broadcast %slice3A_323 : vector<128x1xf32> to vector<128x128xf32>
    %mul3A_326 = arith.mulf %slice3A_324, %mul3A_325 : vector<128x128xf32>
    %slice3A_327 = vector.extract_strided_slice %transpose3A {offsets = [0, 76], sizes = [128, 1], strides = [1, 1]} : vector<128x80xf32> to vector<128x1xf32>
    %slice3A_328 = vector.extract_strided_slice %add3A {offsets = [9728, 0], sizes = [128, 128], strides = [1, 1]} : vector<10000x128xf32> to vector<128x128xf32>
    %mul3A_329 = vector.broadcast %slice3A_327 : vector<128x1xf32> to vector<128x128xf32>
    %mul3A_330 = arith.mulf %slice3A_328, %mul3A_329 : vector<128x128xf32>
    %slice3A_331 = vector.extract_strided_slice %transpose3A {offsets = [0, 77], sizes = [128, 1], strides = [1, 1]} : vector<128x80xf32> to vector<128x1xf32>
    %slice3A_332 = vector.extract_strided_slice %add3A {offsets = [9856, 0], sizes = [128, 128], strides = [1, 1]} : vector<10000x128xf32> to vector<128x128xf32>
    %mul3A_333 = vector.broadcast %slice3A_331 : vector<128x1xf32> to vector<128x128xf32>
    %mul3A_334 = arith.mulf %slice3A_332, %mul3A_333 : vector<128x128xf32>
    %slice3A_335 = vector.extract_strided_slice %transpose3A {offsets = [0, 78], sizes = [16, 1], strides = [1, 1]} : vector<128x80xf32> to vector<16x1xf32>
    %slice3A_336 = vector.extract_strided_slice %add3A {offsets = [9984, 0], sizes = [16, 128], strides = [1, 1]} : vector<10000x128xf32> to vector<16x128xf32>
    %mul3A_337 = vector.broadcast %slice3A_335 : vector<16x1xf32> to vector<16x128xf32>
    %mul3A_338 = arith.mulf %slice3A_336, %mul3A_337 : vector<16x128xf32>
    %concatenate3A = tpu.concatenate %mul3A_26, %mul3A_30, %mul3A_34, %mul3A_38, %mul3A_42, %mul3A_46, %mul3A_50, %mul3A_54, %mul3A_58, %mul3A_62, %mul3A_66, %mul3A_70, %mul3A_74, %mul3A_78, %mul3A_82, %mul3A_86, %mul3A_90, %mul3A_94, %mul3A_98, %mul3A_102, %mul3A_106, %mul3A_110, %mul3A_114, %mul3A_118, %mul3A_122, %mul3A_126, %mul3A_130, %mul3A_134, %mul3A_138, %mul3A_142, %mul3A_146, %mul3A_150, %mul3A_154, %mul3A_158, %mul3A_162, %mul3A_166, %mul3A_170, %mul3A_174, %mul3A_178, %mul3A_182, %mul3A_186, %mul3A_190, %mul3A_194, %mul3A_198, %mul3A_202, %mul3A_206, %mul3A_210, %mul3A_214, %mul3A_218, %mul3A_222, %mul3A_226, %mul3A_230, %mul3A_234, %mul3A_238, %mul3A_242, %mul3A_246, %mul3A_250, %mul3A_254, %mul3A_258, %mul3A_262, %mul3A_266, %mul3A_270, %mul3A_274, %mul3A_278, %mul3A_282, %mul3A_286, %mul3A_290, %mul3A_294, %mul3A_298, %mul3A_302, %mul3A_306, %mul3A_310, %mul3A_314, %mul3A_318, %mul3A_322, %mul3A_326, %mul3A_330, %mul3A_334, %mul3A_338 in 0 : vector<128x128xf32>, vector<128x128xf32>, vector<128x128xf32>, vector<128x128xf32>, vector<128x128xf32>, vector<128x128xf32>, vector<128x128xf32>, vector<128x128xf32>, vector<128x128xf32>, vector<128x128xf32>, vector<128x128xf32>, vector<128x128xf32>, vector<128x128xf32>, vector<128x128xf32>, vector<128x128xf32>, vector<128x128xf32>, vector<128x128xf32>, vector<128x128xf32>, vector<128x128xf32>, vector<128x128xf32>, vector<128x128xf32>, vector<128x128xf32>, vector<128x128xf32>, vector<128x128xf32>, vector<128x128xf32>, vector<128x128xf32>, vector<128x128xf32>, vector<128x128xf32>, vector<128x128xf32>, vector<128x128xf32>, vector<128x128xf32>, vector<128x128xf32>, vector<128x128xf32>, vector<128x128xf32>, vector<128x128xf32>, vector<128x128xf32>, vector<128x128xf32>, vector<128x128xf32>, vector<128x128xf32>, vector<128x128xf32>, vector<128x128xf32>, vector<128x128xf32>, vector<128x128xf32>, vector<128x128xf32>, vector<128x128xf32>, vector<128x128xf32>, vector<128x128xf32>, vector<128x128xf32>, vector<128x128xf32>, vector<128x128xf32>, vector<128x128xf32>, vector<128x128xf32>, vector<128x128xf32>, vector<128x128xf32>, vector<128x128xf32>, vector<128x128xf32>, vector<128x128xf32>, vector<128x128xf32>, vector<128x128xf32>, vector<128x128xf32>, vector<128x128xf32>, vector<128x128xf32>, vector<128x128xf32>, vector<128x128xf32>, vector<128x128xf32>, vector<128x128xf32>, vector<128x128xf32>, vector<128x128xf32>, vector<128x128xf32>, vector<128x128xf32>, vector<128x128xf32>, vector<128x128xf32>, vector<128x128xf32>, vector<128x128xf32>, vector<128x128xf32>, vector<128x128xf32>, vector<128x128xf32>, vector<128x128xf32>, vector<16x128xf32> -> vector<10000x128xf32>
    %get3A_339 = arith.constant 0 : index
    %get3A_340 = arith.constant 0 : index
    %get3A_341 = vector.load %arg2[%get3A_339, %get3A_340] : memref<128x128xf32, #tpu.memory_space<vmem>>, vector<128x128xf32>
    %dot_general3A = arith.constant dense<0.000000e+00> : vector<10000x128xf32>
    %dot_general3A_342 = tpu.matmul %concatenate3A, %get3A_341, %dot_general3A {dimension_numbers = #tpu.dot_dimension_numbers<[1], [1], [0], [0], [0, 0, 1, 0], [], []>, transpose_lhs_hint = false} : vector<10000x128xf32>, vector<128x128xf32>, vector<10000x128xf32> -> vector<10000x128xf32>
    %swap3A = arith.constant 0 : index
    %swap3A_343 = arith.constant 0 : index
    %swap3A_344 = vector.load %arg3[%swap3A, %swap3A_343] : memref<10000x128xf32, #tpu.memory_space<vmem>>, vector<10000x128xf32>
    tpu.vector_store %arg3[%swap3A, %swap3A_343], %dot_general3A_342 {strides = array<i32>} : memref<10000x128xf32, #tpu.memory_space<vmem>>, vector<10000x128xf32>,
    return
  }
}

</mosaic_0001>

<sc_bundles>
// kernel: kernel.4.cloned.1.call-start
scs
__scs_entry_jumppad:
0x0: {  	(pc) =	sbr.rel $0x88, $3  }
0x1: {  	(tag) =	ssettag $0x0;
	lr =	simm.s32 $0x1  }
0x2: {  	[smem:$0x3F9D] =	sst lr;
	_ =	strace $0xD0000000  }
0x3: {  	_ = 	snop  }
0x4: {  	_ = 	snop  }
0x5: {  	_ = 	snop  }
0x6: {  	_ = 	snop  }
0x7: {  	_ = 	snop  }
__scs_overlays_trampoline_lowered:
0x8: {  	[smem:$0x3FAC] =	sst s0  }
0x9: {  	[smem:$0x3FAD] =	sst s1  }
0xa: {  	[smem:$0x3FAE] =	sst s2  }
0xb: {  	[smem:$0x3FAF] =	sst s3  }
0xc: {  	[smem:$0x3FB0] =	sst s4  }
0xd: {  	[smem:$0x3FB1] =	sst s5  }
0xe: {  	[smem:$0x3FB2] =	sst s6  }
0xf: {  	[smem:$0x3FB3] =	sst s7  }
0x10: {  	[smem:$0x3FB4] =	sst s8  }
0x11: {  	[smem:$0x3FB5] =	sst s9;
	s0 =	simm.s32 @!p0 $0x0  }
0x12: {  	s1 =	sld [smem:$0x3F9B];
	s0 =	simm.s32 @p0 $0x1  }
0x13: {  	[smem:$0x3FB6] =	sst s0;
	s0 =	simm.s32 @!p1 $0x0  }
0x14: {  	s2 =	sld [smem:$0x3F9A];
	s0 =	simm.s32 @p1 $0x1  }
0x15: {  	[smem:$0x3FB7] =	sst s0;
	s0 =	simm.s32 @!p2 $0x0  }
0x16: {  	s3 =	sld [smem:$0x3FDB];
	s0 =	simm.s32 @p2 $0x1  }
0x17: {  	s4 =	simm.s32 $0x1BF5;
	[smem:$0x3FB9] =	sst s0  }
0x18: {  	s0 =	sld [smem:$0x3F9C];
	_ =	swait.ge [sflag:s4], $0x0  }
0x19: {  	s7 =	sld [smem:$0x3F9D]  }
0x1a: {  	s8 =	sadd.s32 $0xFFFFE003, lr  }
0x1b: {  	s9 =	sadd.s32 $0xFFFFFEF7, lr;
	s5 =	simm.s32 $0xFFFFFFFF;
	p2 =	slt.u32 s8, $0xFFFFF086  }
0x1c: {  	p1 =	slt.u32 s9, $0xF7A;
	s5 =	simm.s32 @!p2 $0x0  }
0x1d: {  	s5 =	simm.s32 @p1 $0x1;
	p0 =	seq.s32 s7, s2  }
0x1e: {  	s7 =	smul.u32 @!p0 $0xF7A, s2;
	p2 =	seq.s32 @!p0 s5, $0x0  }
0x1f: {  	s9 =	smul.u32 $0xF7A, s1;
	s8 =	simm.s32 @!p0 $0x1BF5;
	p2 =	por !p2, p0  }
0x20: {  	[sflag:s8] =	ssyncset.s32 @!p0 $0xFFFFF086;
	s6 =	sadd.s32 @!p0 s3, s7;
	s7 =	simm.s32 @!p0 $0x108  }
0x21: {  	s3 =	sadd.s32 s3, s9;
	s6 =	sadd.s32 @!p0 $0x88, s6;
	s7 =	simm.s32 @p2 $0x1082  }
0x22: {  	[simem:s7], [sflag:s8] =	dma.local @!p0 [hbm:s6], $0xF7A  }
0x23: {  	s9 =	sor.u32 $0xD0000000, s2;
	s6 =	simm.s32 $0x108;
	_ =	swait.ge @!p0 [sflag:s8], $0x0  }
0x24: {  	s3 =	sadd.s32 $0x88, s3;
	s6 =	simm.s32 @!p1 $0x1082;
	[sflag:s4] =	ssyncset.s32 $0xFFFFF086  }
0x25: {  	[simem:s6], [sflag:s4] =	dma.local [hbm:s3], $0xF7A  }
0x26: {  	[smem:$0x3F9D] =	sst s1;
	(tag) =	ssettag s2;
	_ =	strace s9  }
0x27: {  	s1 =	sld [smem:$0x3FAD]  }
0x28: {  	s2 =	sld [smem:$0x3FAE]  }
0x29: {  	s4 =	sld [smem:$0x3FB0]  }
0x2a: {  	p0 =	seq.s32 s5, $0x0;
	s5 =	sld [smem:$0x3FB1]  }
0x2b: {  	s6 =	sld [smem:$0x3FB2]  }
0x2c: {  	s7 =	sld [smem:$0x3FB3]  }
0x2d: {  	s3 =	simm.s32 $0x108;
	s8 =	sld [smem:$0x3FB4]  }
0x2e: {  	s3 =	simm.s32 @!p0 $0x1082;
	s9 =	sld [smem:$0x3FB5]  }
0x2f: {  	lr =	sadd.s32 s0, s3;
	s0 =	sld [smem:$0x3FAC]  }
0x30: {  	s3 =	sld [smem:$0x3FAF]  }
0x31: {  	[smem:$0x3FB8] =	sst s10  }
0x32: {  	s10 =	sld [smem:$0x3FB6];
	_ =	sdelay $0x3  }
0x33: {  	p0 =	seq.s32 s10, $0x1;
	s10 =	sld [smem:$0x3FB8];
	_ =	sdelay $0x3  }
0x34: {  	[smem:$0x3FB8] =	sst s10  }
0x35: {  	s10 =	sld [smem:$0x3FB7];
	_ =	sdelay $0x3  }
0x36: {  	p1 =	seq.s32 s10, $0x1;
	s10 =	sld [smem:$0x3FB8];
	_ =	sdelay $0x3  }
0x37: {  	[smem:$0x3FB8] =	sst s10  }
0x38: {  	s10 =	sld [smem:$0x3FB9]  }
0x39: {  	_ = 	snop;
	(pc) =	sbr.ind lr, $3  }
0x3a: {  	_ = 	snop  }
0x3b: {  	_ = 	snop  }
0x3c: {  	p2 =	seq.s32 s10, $0x1;
	s10 =	sld [smem:$0x3FB8]  }
0x3d: {  	_ =	shalt  }
0x3e: {  	_ =	shalt  }
0x3f: {  	_ =	shalt  }
0x40: {  	_ =	shalt  }
0x41: {  	_ =	shalt  }
0x42: {  	_ =	shalt  }
0x43: {  	_ =	shalt  }
0x44: {  	_ =	shalt  }
0x45: {  	_ =	shalt  }
0x46: {  	_ =	shalt  }
0x47: {  	_ =	shalt  }
0x48: {  	_ =	shalt  }
0x49: {  	_ =	shalt  }
0x4a: {  	_ =	shalt  }
0x4b: {  	_ =	shalt  }
0x4c: {  	_ =	shalt  }
0x4d: {  	_ =	shalt  }
0x4e: {  	_ =	shalt  }
0x4f: {  	_ =	shalt  }
0x50: {  	_ =	shalt  }
0x51: {  	_ =	shalt  }
0x52: {  	_ =	shalt  }
0x53: {  	_ =	shalt  }
0x54: {  	_ =	shalt  }
0x55: {  	_ =	shalt  }
0x56: {  	_ =	shalt  }
0x57: {  	_ =	shalt  }
0x58: {  	_ =	shalt  }
0x59: {  	_ =	shalt  }
0x5a: {  	_ =	shalt  }
0x5b: {  	_ =	shalt  }
0x5c: {  	_ =	shalt  }
0x5d: {  	_ =	shalt  }
0x5e: {  	_ =	shalt  }
0x5f: {  	_ =	shalt  }
0x60: {  	_ =	shalt  }
0x61: {  	_ =	shalt  }
0x62: {  	_ =	shalt  }
0x63: {  	_ =	shalt  }
0x64: {  	_ =	shalt  }
0x65: {  	_ =	shalt  }
0x66: {  	_ =	shalt  }
0x67: {  	_ =	shalt  }
0x68: {  	_ =	shalt  }
0x69: {  	_ =	shalt  }
0x6a: {  	_ =	shalt  }
0x6b: {  	_ =	shalt  }
0x6c: {  	_ =	shalt  }
0x6d: {  	_ =	shalt  }
0x6e: {  	_ =	shalt  }
0x6f: {  	_ =	shalt  }
0x70: {  	_ =	shalt  }
0x71: {  	_ =	shalt  }
0x72: {  	_ =	shalt  }
0x73: {  	_ =	shalt  }
0x74: {  	_ =	shalt  }
0x75: {  	_ =	shalt  }
0x76: {  	_ =	shalt  }
0x77: {  	_ =	shalt  }
0x78: {  	_ =	shalt  }
0x79: {  	_ =	shalt  }
0x7a: {  	_ =	shalt  }
0x7b: {  	_ =	shalt  }
0x7c: {  	_ =	shalt  }
0x7d: {  	_ =	shalt  }
0x7e: {  	_ =	shalt  }
0x7f: {  	_ =	shalt  }
0x80: {  	_ =	shalt  }
0x81: {  	_ =	shalt  }
0x82: {  	_ =	shalt  }
0x83: {  	_ =	shalt  }
0x84: {  	_ =	shalt  }
0x85: {  	_ =	shalt  }
0x86: {  	_ =	shalt  }
0x87: {  	_ =	shalt  }
.Lfunc_end0:
.L_simem_size_0:
called_computation_lowered:
.L_overlay_start_0:
0x88: {  	s2 =	sld [smem:$0x3FD9]  }
0x89: {  	s3 =	sld [smem:$0x3FFE];
	_ =	sdelay $0x1  }
0x8a: {  	s1 =	srdreg.scid  }
0x8b: {  	s0 =	sand.u32 $0x1, s1  }
0x8c: {  	s17 =	sshll.u32 s0, $0xA;
	s2 =	sadd.s32 s3, s2  }
0x8d: {  	s2 =	sadd.s32 s2, s17  }
0x8e: {  	[smem:$0x3FC4] =	sst s2  }
0x8f: {  	_ = 	snop  }
0x90: {  	s2 =	sld [smem:$0x3FC9]  }
0x91: {  	s18 =	sld [smem:$0x3FC8]  }
0x92: {  	s4 =	sld [smem:$0x3FC7]  }
0x93: {  	s5 =	sld [smem:$0x3FD0];
	(tm) =	ssettm $0x1  }
0x94: {  	s6 =	sld [smem:$0x3FFB];
	_ =	sdelay $0x3  }
0x95: {  	_ =	strace s6  }
0x96: {  	s6 =	sld [smem:$0x3FFC];
	_ =	sdelay $0x3  }
0x97: {  	_ =	strace s6  }
0x98: {  	s6 =	sld [smem:$0x3FFD];
	_ =	sdelay $0x3  }
0x99: {  	_ =	strace s6  }
0x9a: {  	_ =	strace $0x8FFFFFFF  }
0x9b: {  	s19 =	sld [smem:$0x3FDB];
	_ =	sdelay $0x1  }
0x9c: {  	s7 =	simm.s32 $_scs_section_size  }
0x9d: {  	s8 =	simm.s32 $_size__tile_overlayer_lowered;
	s9 =	simm.s32 $_tile_overlayer_lowered  }
0x9e: {  	s22 =	simm.s32 $0x1BFF;
	s21 =	sshll.u32 s9, $0x1;
	s6 =	sadd.s32 s7, s19  }
0x9f: {  	s10 =	simm.s32 $0x0;
	s20 =	sshll.u32 s8, $0x1;
	s8 =	sadd.s32 s21, s6  }
0xa0: {  	[timem:s10], [sflag:s22] =	dma.local [hbm:s8], s20  }
0xa1: {  	_ =	swait.ge [sflag:s22], s20  }
0xa2: {  	s7 =	ssub.s32 $0x0, s20;
	[sflag:s22] =	ssyncset.done $0x0  }
0xa3: {  	[sflag:s22] =	ssyncadd.s32 s7;
	_ =	sdelay $0x1  }
0xa4: {  	s23 =	simm.s32 $0x1B8B  }
0xa5: {  	_ =	swait.ge [sflag:s23], $0x1  }
0xa6: {  	[sflag:s23] =	ssyncset.done $0x0  }
0xa7: {  	s25 =	simm.s32 $0x1B8E;
	s24 =	sld [smem:$0x3FFE];
	[sflag:s23] =	ssyncadd.s32 $0xFFFFFFFF  }
0xa8: {  	s26 =	simm.s32 $execute0_lowered;
	[smem:$0x3FD2] =	sst s25  }
0xa9: {  	s8 =	sshll.u32 s26, $0x1;
	_ =	strace $0x80000046;
	[dreg:$0x1] =	wrdreg $0xFFFFFFFF  }
0xaa: {  	s28 =	simm.s32 $_size_execute0_lowered;
	s6 =	sadd.s32 s6, s8;
	[dreg:$0x0] =	wrdreg $0x0  }
0xab: {  	s8 =	sshll.u32 s28, $0x1;
	[dreg:$0x2] =	wrdreg s6  }
0xac: {  	[dreg:$0x3] =	wrdreg s8  }
0xad: {  	[dreg:$0x4] =	wrdreg $0xC0  }
0xae: {  	_ =	task [dreg:s10], $0x5FFFF  }
0xaf: {  	[dreg:$0x1] =	wrdreg $0xFFFFFFFF  }
0xb0: {  	[dreg:$0x0] =	wrdreg $0x60  }
0xb1: {  	[dreg:$0x2] =	wrdreg s18  }
0xb2: {  	[dreg:$0x3] =	wrdreg s4  }
0xb3: {  	[dreg:$0x4] =	wrdreg s2  }
0xb4: {  	[dreg:$0x5] =	wrdreg s5  }
0xb5: {  	[dreg:$0x6] =	wrdreg s24  }
0xb6: {  	[dreg:$0x7] =	wrdreg $0xC2000  }
0xb7: {  	[dreg:$0x8] =	wrdreg $0x1FA800  }
0xb8: {  	[dreg:$0x9] =	wrdreg $0x9  }
0xb9: {  	_ =	task.clear_ibuf [dreg:s10], $0xAFFFF;
	_ =	strace $0x90000046  }
0xba: {  	s29 =	simm.s32 $0x9;
	_ =	strace $0x80000048  }
0xbb: {  	_ =	swait.ge [sflag:s29], $0x1  }
0xbc: {  	[sflag:s29] =	ssyncadd.s32 $0xFFFFFFFF  }
0xbd: {  	_ =	strace $0x90000048  }
0xbe: {  	_ =	sfence  }
0xbf: {  	s30 =	sld [smem:$0x0];
	_ =	sdelay $0x2  }
0xc0: {  	s31 =	sshll.u32 s1, $0xD;
	s1 =	sshrl.u32 s1, $0x2  }
0xc1: {  	s3 =	sand.u32 $0x4000, s31;
	s1 =	sadd.s32 s1, s30  }
0xc2: {  	s0 =	sor.u32 s3, s0;
	s1 =	sshll.u32 s1, $0x11  }
0xc3: {  	s0 =	sor.u32 s1, s0  }
0xc4: {  	s0 =	sadd.s32 $0x8F2B, s0  }
0xc5: {  	[sflag:s0] =	ssyncadd.remote.s32 $0x1  }
0xc6: {  	_ =	sfence.sel $0xFFFF  }
0xc7: {  	[dreg:$0x0] =	wrdreg $0xFFFFFFFF;
	(pc) =	sbr.abs _section_cstart, $3  }
0xc8: {  	[dreg:$0x1] =	wrdreg $0xFFFFFFFF  }
0xc9: {  	_ =	task.clear_ibuf [dreg:s10], $0x2FFFF;
	_ =	strace $0x9FFFFFFF  }
0xca: {  	(tm) =	ssettm $0x7FFFFFFF  }
0xcb: {  	_ =	shalt  }
tec
execute0_lowered:
.L_overlay_start_1:
0x0: {  	(tag) =	ssettag $0x1  }
0x1: {  	s0 =	rddreg [dreg:$0x0]  }
0x2: {  	s1 =	rddreg [dreg:$0x1];
	s3 =	stileid.u32  }
0x3: {  	s2 =	rddreg [dreg:$0x2];
	s9 =	smul.u32 $0x13880, s3  }
0x4: {  	s7 =	rddreg [dreg:$0x4];
	s11 =	smul.u32 $0x280, s3  }
0x5: {  	s8 =	srdreg.scid;
	s23 =	smul.u32 $0x4E200, s3  }
0x6: {  	s4 =	rddreg [dreg:$0x5];
	s8 =	sand.u32 $0x1, s8;
	s24 =	smul.u32 $0x9C, s3  }
0x7: {  	s5 =	rddreg [dreg:$0x6];
	s6 =	simm.s32 $0x0;
	s10 =	smul.u32 $0x138800, s8  }
0x8: {  	s30 =	simm.s32 $0x180;
	s13 =	sshll.u32 s3, $0x1;
	s12 =	smul.u32 $0x2800, s8  }
0x9: {  	s31 =	simm.s32 $0x4180;
	s28 =	sor.u32 s8, s13;
	s25 =	smul.u32 $0x4E, s8  }
0xa: {  	s15 =	ssub.s32 $0x2, s8;
	p0 =	seq.s32 s8, $0x1;
	s8 =	smul.u32 $0x138000, s8  }
0xb: {  	[smem:$0x7FF] =	sst s6;
	s14 =	sadd.s32 $0xE00, s7;
	s13 =	smul.u32 $0x27000, s28  }
0xc: {  	p1 =	slt.u32 s3, $0xE;
	_ =	strace $0x80000047;
	s16 =	smul.u32 $0x138000, s28  }
0xd: {  	[dreg:$0x8] =	wrdreg s14;
	s14 =	simm.s32 $0x5;
	s18 =	smul.u32 $0x2700, s28  }
0xe: {  	s17 =	sshrl.u32 s15, $0x1;
	s29 =	smul.u32 $0x4E0, s28;
	s26 =	sshll.u32 s28, $0x7  }
0xf: {  	s28 =	smul.u32 $0x270000, s3;
	s10 =	sadd.s32 s9, s10;
	s12 =	sadd.s32 s11, s12  }
0x10: {  	s15 =	ssub.s32 s15, s17;
	s11 =	sadd.s32 s11, s5;
	s10 =	sshrl.u32 s10, $0x3  }
0x11: {  	s12 =	sshrl.u32 s12, $0x3;
	s16 =	sshrl.u32 s16, $0x3;
	s19 =	sadd.s32 s0, s13  }
0x12: {  	s21 =	sshrl.u32 s18, $0x3;
	s18 =	sadd.s32 s1, s29;
	s29 =	sadd.s32 s25, s24  }
0x13: {  	[dreg:$0x10] =	wrdreg s11;
	s11 =	simm.s32 $0xB;
	s10 =	sadd.s32 s10, s7  }
0x14: {  	s12 =	sadd.s32 s12, s7;
	s20 =	sadd.s32 s0, s16;
	s22 =	sadd.s32 s1, s21  }
0x15: {  	s7 =	sadd.s32 $0xE50, s7;
	s21 =	sadd.s32 s8, s28;
	[dreg:$0x9] =	wrdreg s19  }
0x16: {  	s28 =	sadd.s32 $0x800, s19;
	[dreg:$0xa] =	wrdreg s18;
	s16 =	simm.s32 $0x6  }
0x17: {  	s19 =	simm.s32 $0x9;
	s13 =	sadd.s32 $0x1000, s20;
	[dreg:$0xd] =	wrdreg s7  }
0x18: {  	s7 =	sshrl.u32 s23, $0x2;
	s20 =	sadd.s32 $0x1000, s10;
	s23 =	sshll.u32 s29, $0x4  }
0x19: {  	s24 =	sadd.s32 $0x10000, s21;
	s25 =	sadd.s32 $0x4F200, s12;
	[dreg:$0x1a] =	wrdreg s28  }
0x1a: {  	s29 =	sadd.s32 $0x10, s18;
	s10 =	simm.s32 $0xC180;
	[dreg:$0xb] =	wrdreg s13  }
0x1b: {  	s12 =	simm.s32 $0x4;
	s18 =	simm.s32 $0xA;
	[dreg:$0x13] =	wrdreg s20  }
0x1c: {  	s13 =	sadd.s32 $0x20, s22;
	s22 =	sadd.s32 s9, s4;
	[dreg:$0x14] =	wrdreg s25  }
0x1d: {  	s9 =	sshrl.u32 s9, $0x3;
	s8 =	sshrl.u32 s24, $0x3;
	[dreg:$0x1b] =	wrdreg s29  }
0x1e: {  	s20 =	simm.s32 $0x0;
	[dreg:$0xc] =	wrdreg s13;
	s2 =	sadd.s32 s2, s9  }
0x1f: {  	s9 =	sadd.s32 $0x14000, s21;
	s8 =	sadd.s32 s8, s0;
	[dreg:$0xe] =	wrdreg s22  }
0x20: {  	[dreg:$0xf] =	wrdreg s2;
	s2 =	sadd.s32 s7, s4;
	s7 =	sadd.s32 $0x4D200, s26  }
0x21: {  	s9 =	sshrl.u32 s9, $0x3;
	s26 =	smax.u32 s15, $0x1;
	[dreg:$0x17] =	wrdreg s8  }
0x22: {  	s8 =	simm.s32 $0x1;
	s15 =	simm.s32 $0x3;
	s13 =	sshrl.u32 s7, $0x3  }
0x23: {  	s7 =	sshll.u32 s7, $0x4;
	[dreg:$0x15] =	wrdreg s26;
	s9 =	sadd.s32 s9, s0  }
0x24: {  	s17 =	sadd.s32 s1, s13;
	s7 =	sadd.s32 s0, s7;
	[dreg:$0x16] =	wrdreg s9  }
.Ltmp0:
0x25: {  	s1 =	sadd.s32 s23, s1;
	[dreg:$0x11] =	wrdreg s17;
	(pc) =	sbr.rel .LBB2_1-.Ltmp0, $4  }
0x26: {  	s9 =	simm.s32 $0x2;
	[dreg:$0x12] =	wrdreg s7;
	s7 =	sadd.s32 $0xC000, s21  }
0x27: {  	s24 =	sadd.s32 $0x40, s1;
	s25 =	sadd.s32 $0x30, s1;
	s1 =	sshrl.u32 @p0 s2, $0x3  }
0x28: {  	s2 =	simm.s32 $0x8180;
	s17 =	simm.s32 $0x7;
	[dreg:$0x18] =	wrdreg s7  }
0x29: {  	[dreg:$0x19] =	wrdreg s1;
	s1 =	simm.s32 $0x80;
	s7 =	simm.s32 $0x100  }
.LBB2_4:
0x2a: {  	s3 =	simm.s32 @!p1 $0x0;
	s13 =	rddreg [dreg:$0x11]  }
0x2b: {  	[tilespmem:s3], [sflag:$0xB] =	stream.linear.gather @!p1 [hbm4b:s13+s3], $0x80, $0x38;
	[tilespmem:$0x1FD00] =	vst v63  }
0x2c: {  	s13 =	simm.s32 @!p1 $0xB  }
0x2d: {  	_ =	swait.ge @!p1 [sflag:s13], $0x80  }
0x2e: {  	[sflag:s13] =	ssyncset.done @!p1 $0x0  }
0x2f: {  	s22 =	simm.s32 @!p1 $0x180;
	s23 =	rddreg [dreg:$0x12];
	[sflag:s13] =	ssyncadd.s32 @!p1 $0xFFFFFF80  }
0x30: {  	[tilespmem:s22], [sflag:$0xB] =	stream.linear.gather @!p1 [hbm4b:s23+s3], $0x4000, $0x38;
	[tilespmem:$0x1FD00] =	vst v63  }
0x31: {  	_ =	swait.ge @!p1 [sflag:s13], $0x4000  }
0x32: {  	[sflag:s13] =	ssyncset.done @!p1 $0x0  }
0x33: {  	s23 =	simm.s32 @!p1 $0x80;
	[sflag:s13] =	ssyncadd.s32 @!p1 $0xFFFFC000  }
0x34: {  	[spmem:s4] =	stream.indirect.scatter.add.f32 @!p1 [tilespmem:s22], [sflag:$0xB], $0x80, s3, s23, $0xb8;
	[tilespmem:$0x1FD00] =	vst v63  }
0x35: {  	_ =	swait.ge @!p1 [sflag:s13], $0x4000  }
0x36: {  	[sflag:s13] =	ssyncset.done @!p1 $0x0  }
0x37: {  	s22 =	simm.s32 @!p1 $0xC180;
	[sflag:s13] =	ssyncadd.s32 @!p1 $0xFFFFC000  }
0x38: {  	[spmem:s5] =	stream.indirect.scatter.add.f32 @!p1 [tilespmem:s22], [sflag:$0xB], $0x1, s3, s23, $0xb8;
	[tilespmem:$0x1FD00] =	vst v63  }
0x39: {  	_ =	swait.ge @!p1 [sflag:s13], $0x80  }
0x3a: {  	[sflag:s13] =	ssyncset.done @!p1 $0x0  }
0x3b: {  	[sflag:s13] =	ssyncadd.s32 @!p1 $0xFFFFFF80  }
0x3c: {  	[bflag:$0x0] =	sbarrier.arrive $0xFFFF  }
0x3d: {  	s22 =	rddreg [dreg:$0xe]  }
0x3e: {  	s23 =	rddreg [dreg:$0x13];
	s13 =	sshrl.u32 s22, $0x3  }
0x3f: {  	[hbm:s23], [sflag:s21] =	dma.local [spmem:s13], $0x2710  }
0x40: {  	_ =	swait.ge [sflag:s11], $0x2710  }
0x41: {  	[sflag:s11] =	ssyncset.done $0x0;
	s26 =	rddreg [dreg:$0x14]  }
0x42: {  	s28 =	rddreg [dreg:$0x1c];
	[sflag:s11] =	ssyncadd.s32 $0xFFFFD8F0  }
0x43: {  	[hbm:s26], [sflag:s21] =	dma.local [spmem:s28], $0x50  }
0x44: {  	_ =	swait.ge [sflag:s11], $0x50  }
0x45: {  	s20 =	sadd.s32 $0x1, s20;
	s29 =	rddreg [dreg:$0x15]  }
0x46: {  	p2 =	sne.s32 s20, s29  }
.Ltmp1:
0x47: {  	_ = 	snop;
	(pc) =	sbr.rel @!p2 .LBB2_5-.Ltmp1, $3  }
0x48: {  	_ =	sdelay $0x1  }
0x49: {  	[sflag:s11] =	ssyncset.done $0x0  }
0x4a: {  	[sflag:s11] =	ssyncadd.s32 $0xFFFFFFB0  }
.LBB2_1:
0x4b: {  	s3 =	rddreg [dreg:$0x9]  }
0x4c: {  	[tilespmem:s30], [sflag:$0x1] =	stream.linear.gather [hbm4b:s3+s6], $0x4000, $0x38;
	[tilespmem:$0x1FD00] =	vst v63  }
0x4d: {  	s23 =	rddreg [dreg:$0xa]  }
0x4e: {  	[tilespmem:s6], [sflag:$0x4] =	stream.linear.gather [hbm4b:s23+s6], $0x80, $0x38;
	[tilespmem:$0x1FD00] =	vst v63  }
0x4f: {  	s26 =	rddreg [dreg:$0x1a]  }
0x50: {  	[tilespmem:s31], [sflag:$0x2] =	stream.linear.gather [hbm4b:s26+s6], $0x4000, $0x38;
	[tilespmem:$0x1FD00] =	vst v63  }
0x51: {  	s13 =	rddreg [dreg:$0x1b]  }
0x52: {  	[tilespmem:s1], [sflag:$0x5] =	stream.linear.gather [hbm4b:s13+s6], $0x80, $0x38;
	[tilespmem:$0x1FD00] =	vst v63  }
0x53: {  	s21 =	rddreg [dreg:$0xb]  }
0x54: {  	[tilespmem:s2], [sflag:$0x3] =	stream.linear.gather [hbm4b:s21+s6], $0x4000, $0x38;
	[tilespmem:$0x1FD00] =	vst v63  }
0x55: {  	s23 =	rddreg [dreg:$0xc]  }
0x56: {  	[tilespmem:s7], [sflag:$0x6] =	stream.linear.gather [hbm4b:s23+s6], $0x80, $0x38;
	[tilespmem:$0x1FD00] =	vst v63  }
0x57: {  	s26 =	rddreg [dreg:$0xd]  }
0x58: {  	[tilespmem:s10], [sflag:$0xB] =	stream.linear.gather [hbm4b:s26+s6], $0x80, $0x38;
	[tilespmem:$0x1FD00] =	vst v63  }
0x59: {  	_ =	swait.ge [sflag:s11], $0x80  }
0x5a: {  	s13 =	stileid.u32;
	[sflag:s11] =	ssyncset.done $0x0  }
0x5b: {  	s21 =	sshll.u32 @p0 s13, $0x6;
	s23 =	rddreg [dreg:$0x19];
	[sflag:s11] =	ssyncadd.s32 $0xFFFFFF80  }
0x5c: {  	s21 =	sor.u32 @p0 $0x1C0B, s21;
	s3 =	rddreg [dreg:$0x3]  }
0x5d: {  	[spmem:s23], [sflag:s21] =	dma.local @p0 [hbm:s3], $0x2710  }
0x5e: {  	s21 =	sshll.u32 @!p0 s13, $0x6  }
0x5f: {  	s22 =	sshrl.u32 @!p0 s22, $0x3;
	s21 =	sor.u32 @!p0 $0x1C0B, s21;
	s3 =	rddreg [dreg:$0xf]  }
0x60: {  	[spmem:s22], [sflag:s21] =	dma.local @!p0 [hbm:s3], $0x2710  }
0x61: {  	_ =	swait.ge [sflag:s11], $0x2710  }
0x62: {  	s13 =	sshll.u32 s13, $0x6;
	s22 =	rddreg [dreg:$0x10]  }
0x63: {  	[sflag:s11] =	ssyncset.done $0x0;
	s26 =	rddreg [dreg:$0x8];
	s23 =	sshrl.u32 s22, $0x3  }
0x64: {  	s21 =	sor.u32 $0x1C0B, s13;
	[sflag:s11] =	ssyncadd.s32 $0xFFFFD8F0;
	[dreg:$0x1c] =	wrdreg s23  }
0x65: {  	[spmem:s23], [sflag:s21] =	dma.local [hbm:s26], $0x50  }
0x66: {  	_ =	swait.ge [sflag:s11], $0x50  }
0x67: {  	[sflag:s11] =	ssyncset.done $0x0  }
0x68: {  	[sflag:s11] =	ssyncadd.s32 $0xFFFFFFB0  }
0x69: {  	[bflag:$0x0] =	sbarrier.arrive $0xFFFF  }
0x6a: {  	s23 =	rddreg [dreg:$0x18]  }
0x6b: {  	s26 =	rddreg [dreg:$0x17]  }
0x6c: {  	s28 =	simm.s32 $0x0;
	s29 =	rddreg [dreg:$0x16]  }
.LBB2_2:
0x6d: {  	_ =	swait.ge [sflag:s8], $0x4000  }
0x6e: {  	[sflag:s8] =	ssyncset.done $0x0  }
0x6f: {  	[sflag:s8] =	ssyncadd.s32 $0xFFFFC000  }
0x70: {  	_ =	swait.ge [sflag:s12], $0x80  }
0x71: {  	[sflag:s12] =	ssyncset.done $0x0  }
0x72: {  	[sflag:s12] =	ssyncadd.s32 $0xFFFFFF80  }
0x73: {  	[spmem:s4] =	stream.indirect.scatter.add.f32 [tilespmem:s30], [sflag:$0x7], $0x80, s6, s1, $0xb8;
	[tilespmem:$0x1FD00] =	vst v63  }
0x74: {  	_ = 	snop  }
0x75: {  	[spmem:s5] =	stream.indirect.scatter.add.f32 [tilespmem:s10], [sflag:$0xA], $0x1, s6, s1, $0xb8;
	[tilespmem:$0x1FD00] =	vst v63  }
0x76: {  	_ =	swait.ge [sflag:s9], $0x4000  }
0x77: {  	[sflag:s9] =	ssyncset.done $0x0  }
0x78: {  	[sflag:s9] =	ssyncadd.s32 $0xFFFFC000  }
0x79: {  	_ =	swait.ge [sflag:s14], $0x80  }
0x7a: {  	[sflag:s14] =	ssyncset.done $0x0  }
0x7b: {  	[sflag:s14] =	ssyncadd.s32 $0xFFFFFF80  }
0x7c: {  	[spmem:s4] =	stream.indirect.scatter.add.f32 [tilespmem:s31], [sflag:$0x8], $0x80, s1, s1, $0xb8;
	[tilespmem:$0x1FD00] =	vst v63  }
0x7d: {  	_ = 	snop  }
0x7e: {  	[spmem:s5] =	stream.indirect.scatter.add.f32 [tilespmem:s10], [sflag:$0xA], $0x1, s1, s1, $0xb8;
	[tilespmem:$0x1FD00] =	vst v63  }
0x7f: {  	_ =	swait.ge [sflag:s15], $0x4000  }
0x80: {  	[sflag:s15] =	ssyncset.done $0x0  }
0x81: {  	[sflag:s15] =	ssyncadd.s32 $0xFFFFC000  }
0x82: {  	_ =	swait.ge [sflag:s16], $0x80  }
0x83: {  	[sflag:s16] =	ssyncset.done $0x0  }
0x84: {  	[sflag:s16] =	ssyncadd.s32 $0xFFFFFF80  }
0x85: {  	[spmem:s4] =	stream.indirect.scatter.add.f32 [tilespmem:s2], [sflag:$0x9], $0x80, s7, s1, $0xb8;
	[tilespmem:$0x1FD00] =	vst v63  }
0x86: {  	_ = 	snop  }
0x87: {  	[spmem:s5] =	stream.indirect.scatter.add.f32 [tilespmem:s10], [sflag:$0xA], $0x1, s7, s1, $0xb8;
	[tilespmem:$0x1FD00] =	vst v63  }
0x88: {  	_ =	swait.ge [sflag:s17], $0x4000  }
0x89: {  	[sflag:s17] =	ssyncset.done $0x0  }
0x8a: {  	[sflag:s17] =	ssyncadd.s32 $0xFFFFC000  }
0x8b: {  	_ =	swait.ge [sflag:s18], $0x80  }
0x8c: {  	p2 =	seq.s32 s28, $0x4B0;
	[sflag:s18] =	ssyncset.done $0x0  }
0x8d: {  	s3 =	simm.s32 @p2 $0x8;
	[sflag:s18] =	ssyncadd.s32 $0xFFFFFF80  }
0x8e: {  	_ =	swait.ge @p2 [sflag:s3], $0x4000  }
0x8f: {  	[sflag:s3] =	ssyncset.done @p2 $0x0  }
0x90: {  	[sflag:s3] =	ssyncadd.s32 @p2 $0xFFFFC000;
	s3 =	simm.s32 @p2 $0xA  }
0x91: {  	_ =	swait.ge @p2 [sflag:s3], $0x80  }
0x92: {  	[sflag:s3] =	ssyncset.done @p2 $0x0  }
0x93: {  	[sflag:s3] =	ssyncadd.s32 @p2 $0xFFFFFF80;
	s3 =	sshrl.u32 @!p2 s23, $0x3  }
0x94: {  	s13 =	simm.s32 @!p2 $0x0;
	s22 =	simm.s32 @!p2 $0x180;
	s3 =	sadd.s32 @!p2 s0, s3  }
0x95: {  	[tilespmem:s22], [sflag:$0x1] =	stream.linear.gather @!p2 [hbm4b:s3+s13], $0x4000, $0x38;
	[tilespmem:$0x1FD00] =	vst v63  }
0x96: {  	s3 =	sadd.s32 @!p2 s28, s25  }
0x97: {  	[tilespmem:s13], [sflag:$0x4] =	stream.linear.gather @!p2 [hbm4b:s3+s13], $0x80, $0x38;
	[tilespmem:$0x1FD00] =	vst v63  }
0x98: {  	s3 =	simm.s32 @!p2 $0x8  }
0x99: {  	_ =	swait.ge @!p2 [sflag:s3], $0x4000  }
0x9a: {  	[sflag:s3] =	ssyncset.done @!p2 $0x0  }
0x9b: {  	[sflag:s3] =	ssyncadd.s32 @!p2 $0xFFFFC000;
	s3 =	simm.s32 @!p2 $0xA  }
0x9c: {  	_ =	swait.ge @!p2 [sflag:s3], $0x80  }
0x9d: {  	[sflag:s3] =	ssyncset.done @!p2 $0x0  }
0x9e: {  	[sflag:s3] =	ssyncadd.s32 @!p2 $0xFFFFFF80;
	s3 =	simm.s32 @!p2 $0x4180  }
0x9f: {  	[tilespmem:s3], [sflag:$0x2] =	stream.linear.gather @!p2 [hbm4b:s26+s13], $0x4000, $0x38;
	[tilespmem:$0x1FD00] =	vst v63  }
0xa0: {  	s22 =	simm.s32 @!p2 $0x80;
	s3 =	sadd.s32 @!p2 s28, s24  }
0xa1: {  	[tilespmem:s22], [sflag:$0x5] =	stream.linear.gather @!p2 [hbm4b:s3+s13], $0x80, $0x38;
	[tilespmem:$0x1FD00] =	vst v63  }
0xa2: {  	_ =	swait.ge [sflag:s19], $0x4000  }
.Ltmp2:
0xa3: {  	[sflag:s19] =	ssyncset.done $0x0;
	(pc) =	sbr.rel @p2 .LBB2_4-.Ltmp2, $4  }
0xa4: {  	[sflag:s19] =	ssyncadd.s32 $0xFFFFC000  }
0xa5: {  	_ =	swait.ge [sflag:s18], $0x80  }
0xa6: {  	[sflag:s18] =	ssyncset.done $0x0  }
0xa7: {  	[sflag:s18] =	ssyncadd.s32 $0xFFFFFF80  }
.Ltmp3:
0xa8: {  	(pc) =	sbr.rel .LBB2_2-.Ltmp3, $4  }
0xa9: {  	[tilespmem:s2], [sflag:$0x3] =	stream.linear.gather [hbm4b:s29+s6], $0x4000, $0x38;
	[tilespmem:$0x1FD00] =	vst v63  }
0xaa: {  	s3 =	sadd.s32 s28, s24;
	s29 =	sadd.s32 $0x1800, s29;
	s28 =	sadd.s32 $0x30, s28  }
0xab: {  	s26 =	sadd.s32 $0x1800, s26;
	s23 =	sadd.s32 $0xC000, s23;
	s3 =	sadd.s32 $0x10, s3  }
0xac: {  	[tilespmem:s7], [sflag:$0x6] =	stream.linear.gather [hbm4b:s3+s6], $0x80, $0x38;
	[tilespmem:$0x1FD00] =	vst v63  }
.LBB2_5:
0xad: {  	_ =	sfence.sel $0x180000  }
0xae: {  	[bflag:$0x0] =	sbarrier.arrive $0xFFFF  }
0xaf: {  	_ =	strace $0x90000047  }
0xb0: {  	s0 =	stileid.u32;
	[bflag:$0x2] =	sbarrier.arrive $0xFFFF  }
0xb1: {  	p0 =	sne.s32 s0, $0x0;
	s0 =	rddreg [dreg:$0x7]  }
0xb2: {  	s0 =	sadd.s32 @!p0 $0x100000, s0  }
0xb3: {  	[sflag:s0] =	ssyncadd.tile.s32 @!p0 $0x1;
	_ =	shalt  }
.Lfunc_end2:
_tile_overlayer_lowered:
.L_overlay_start_2:
0xb4: {  	(tag) =	ssettag $0x2  }
0xb5: {  	s0 =	rddreg [dreg:$0x0];
	s2 =	stileid.u32  }
0xb6: {  	s1 =	rddreg [dreg:$0x1];
	p0 =	sne.s32 s2, $0x0  }
0xb7: {  	s3 =	rddreg [dreg:$0x2];
	[bflag:$0x3] =	sbarrier.arrive $0xFFFF;
	s2 =	simm.s32 @!p0 $0x1C0B  }
0xb8: {  	[timem:s3], [sflag:s2] =	dma.local @!p0 [hbm:s0], s1  }
0xb9: {  	s0 =	simm.s32 @!p0 $0xB  }
0xba: {  	_ =	swait.ge @!p0 [sflag:s0], s1  }
0xbb: {  	s1 =	ssub.s32 @!p0 $0x0, s1;
	[sflag:s0] =	ssyncset.done @!p0 $0x0  }
0xbc: {  	[sflag:s0] =	ssyncadd.s32 @!p0 s1  }
0xbd: {  	[bflag:$0x3] =	sbarrier.arrive $0xFFFF  }
0xbe: {  	_ =	shalt  }

</sc_bundles>
